<compile_context>
chip_gen: v7x
topology: tpu7x:2x2x1
jax: 0.10.2.dev20260603
libtpu: 0.0.44.dev20260713+nightly
codegen_flags: <defaults>
</compile_context>

<pallas_src>
import functools

import jax
import jax.numpy as jnp
import numpy as np
from jax import lax
from jax.experimental import pallas as pl
from jax.experimental.pallas import tpu as pltpu
from jax.experimental.pallas import tpu_sc as plsc

N = 10000
E = 320000
D = 128
NC = 2
NS = 16
NW = NC * NS
CHUNK = 128
R0 = 80
SROWS = 40
E_PAD = NC * NS * R0 * CHUNK
N_ACC = 10112
STRIPE = N_ACC // NS
BN_EPS = 1e-5

_PAD = E_PAD - E
_PAD_SRC = np.asarray(np.arange(_PAD) % N, dtype=np.int32)
_PAD_DST = np.asarray(N + np.arange(_PAD) % (N_ACC - N), dtype=np.int32)


def _seg_sum_partials():
    mesh = plsc.VectorSubcoreMesh(core_axis_name="c", subcore_axis_name="s")

    @functools.partial(
        pl.kernel,
        mesh=mesh,
        out_type=jax.ShapeDtypeStruct((NC, N_ACC, D), jnp.float32),
        scratch_types=[
            pltpu.VMEM((SROWS, CHUNK), jnp.int32),
            pltpu.VMEM((SROWS, CHUNK), jnp.int32),
            pltpu.VMEM((CHUNK, D), jnp.float32),
            pltpu.VMEM((CHUNK, D), jnp.float32),
            pltpu.VMEM_SHARED((N_ACC, D), jnp.float32),
            pltpu.SemaphoreType.DMA,
            pltpu.SemaphoreType.DMA,
        ],
    )
    def seg_sum(x_hbm, src_hbm, dst_hbm, out_hbm,
                src_v, dst_v, rows0, rows1, acc, gsem0, gsem1):
        c = lax.axis_index("c")
        s = lax.axis_index("s")
        wid = c * NS + s

        def _zrow(i, _):
            def _zcol(j, _):
                rows0[i, pl.ds(j * 16, 16)] = jnp.zeros((16,), jnp.float32)
                return 0
            return lax.fori_loop(0, D // 16, _zcol, 0)
        lax.fori_loop(0, CHUNK, _zrow, 0)
        for r, nr in ((0, 128), (128, 128), (256, 128), (384, 128),
                      (512, 120)):
            pltpu.sync_copy(rows0.at[pl.ds(0, nr)],
                            acc.at[pl.ds(s * STRIPE + r, nr)])

        plsc.subcore_barrier()

        row0 = wid * R0

        def _stage(h, _):
            base = row0 + h * SROWS
            pltpu.sync_copy(src_hbm.at[pl.ds(base, SROWS)], src_v)
            pltpu.sync_copy(dst_hbm.at[pl.ds(base, SROWS)], dst_v)
            pltpu.async_copy(x_hbm.at[src_v.at[0]], rows0, gsem0)

            def _pair(i, _):
                pltpu.async_copy(x_hbm.at[src_v.at[2 * i + 1]], rows1, gsem1)
                pltpu.make_async_copy(x_hbm.at[pl.ds(0, CHUNK)], rows0,
                                      gsem0).wait()
                pltpu.sync_copy(rows0, acc.at[dst_v.at[2 * i]], add=True)

                @pl.when(i < SROWS // 2 - 1)
                def _():
                    pltpu.async_copy(x_hbm.at[src_v.at[2 * i + 2]], rows0,
                                     gsem0)
                pltpu.make_async_copy(x_hbm.at[pl.ds(0, CHUNK)], rows1,
                                      gsem1).wait()
                pltpu.sync_copy(rows1, acc.at[dst_v.at[2 * i + 1]], add=True)
                return 0
            lax.fori_loop(0, SROWS // 2, _pair, 0)
            return 0
        lax.fori_loop(0, R0 // SROWS, _stage, 0)

        plsc.subcore_barrier()

        pltpu.sync_copy(acc.at[pl.ds(s * STRIPE, STRIPE)],
                        out_hbm.at[c, pl.ds(s * STRIPE, STRIPE)])

    return seg_sum


_SEG_SUM = _seg_sum_partials()


def _mlp_body(outer_relu, eps_ref, x_ref, p_ref, wa_ref, ba_ref, g_ref,
              be_ref, wb_ref, bb_ref, o_ref):
    eps = eps_ref[0]
    h = (1.0 + eps) * x_ref[...] + p_ref[0, :N] + p_ref[1, :N]
    h1 = jnp.dot(h, wa_ref[...], preferred_element_type=jnp.float32)
    h1 = h1 + ba_ref[...]
    mu = jnp.mean(h1, axis=0, keepdims=True)
    var = jnp.mean(h1 * h1, axis=0, keepdims=True) - mu * mu
    inv = g_ref[...] * lax.rsqrt(var + BN_EPS)
    h1 = jnp.maximum(h1 * inv + (be_ref[...] - mu * inv), 0.0)
    h2 = jnp.dot(h1, wb_ref[...], preferred_element_type=jnp.float32)
    h2 = h2 + bb_ref[...]
    if outer_relu:
        h2 = jnp.maximum(h2, 0.0)
    o_ref[...] = h2


def _mlp(x, partials, eps, wa, ba, g, be, wb, bb, outer_relu):
    smem = pl.BlockSpec(memory_space=pltpu.SMEM)
    return pl.pallas_call(
        functools.partial(_mlp_body, outer_relu),
        out_shape=jax.ShapeDtypeStruct((N, D), jnp.float32),
        in_specs=[smem] + [pl.BlockSpec(memory_space=pltpu.VMEM)] * 8,
        out_specs=pl.BlockSpec(memory_space=pltpu.VMEM),
    )(eps.reshape(1), x, partials,
      wa, ba.reshape(1, D), g.reshape(1, D), be.reshape(1, D),
      wb, bb.reshape(1, D))


def kernel(x, edge_index, eps1, W1, b1, g1, be1, W2, b2,
           eps2, W3, b3, g3, be3, W4, b4):
    src = edge_index[0].astype(jnp.int32)
    dst = edge_index[1].astype(jnp.int32)
    src2 = jnp.concatenate([src, _PAD_SRC]).reshape(E_PAD // CHUNK, CHUNK)
    dst2 = jnp.concatenate([dst, _PAD_DST]).reshape(E_PAD // CHUNK, CHUNK)

    p1 = _SEG_SUM(x, src2, dst2)
    h = _mlp(x, p1, eps1, W1, b1, g1, be1, W2, b2, True)
    p2 = _SEG_SUM(h, src2, dst2)
    out = _mlp(h, p2, eps2, W3, b3, g3, be3, W4, b4, False)
    return out

# --- scband reference (transcript-rebuilt; emitter-appended) ---
"""Pipeline reference for scband-btgins-88098369176165 (READ-ONLY COPY).

The authoritative reference and input builder live on the scoring server;
editing this copy changes nothing except your own understanding.
"""

import jax, jax.numpy as jnp
import numpy as np

BN_EPS = 1e-5

def _lin_init(k, fi, fo):
    return jax.random.normal(k, (fi, fo), dtype=jnp.float32) / jnp.sqrt(fi)

def setup_inputs(seed: int = 0) -> dict:
    key = jax.random.key(seed)
    ks = jax.random.split(key, 8)
    N, E, D, H = 10000, 320000, 128, 128
    x = jax.random.normal(ks[0], (N, D), dtype=jnp.float32)
    edge_index = jax.random.randint(ks[1], (2, E), 0, N)
    # GIN layer 1 MLP: Linear(D,H) -> BN -> ReLU -> Linear(H,H), then outer ReLU
    W1 = _lin_init(ks[2], D, H); b1 = jnp.zeros((H,), jnp.float32)
    g1 = jnp.ones((H,), jnp.float32); be1 = jnp.zeros((H,), jnp.float32)
    W2 = _lin_init(ks[3], H, H); b2 = jnp.zeros((H,), jnp.float32)
    # GIN layer 2 MLP: Linear(H,H) -> BN -> ReLU -> Linear(H,H), no outer activation
    W3 = _lin_init(ks[4], H, H); b3 = jnp.zeros((H,), jnp.float32)
    g3 = jnp.ones((H,), jnp.float32); be3 = jnp.zeros((H,), jnp.float32)
    W4 = _lin_init(ks[5], H, H); b4 = jnp.zeros((H,), jnp.float32)
    eps1 = jnp.array(0.1, dtype=jnp.float32)
    eps2 = jnp.array(0.1, dtype=jnp.float32)
    return {"x": x, "edge_index": edge_index, "eps1": eps1, "W1": W1, "b1": b1,
            "g1": g1, "be1": be1, "W2": W2, "b2": b2, "eps2": eps2, "W3": W3,
            "b3": b3, "g3": g3, "be3": be3, "W4": W4, "b4": b4}

def _batch_norm(h, g, be):
    mu = jnp.mean(h, axis=0)
    var = jnp.var(h, axis=0)
    return g * (h - mu) / jnp.sqrt(var + BN_EPS) + be

def _gin_layer(x, edge_index, eps, Wa, ba, g, be, Wb, bb, outer_relu):
    src = edge_index[0]
    dst = edge_index[1]
    agg = jax.ops.segment_sum(x[src], dst, num_segments=x.shape[0])
    h = (1.0 + eps) * x + agg
    h = h @ Wa + ba
    h = _batch_norm(h, g, be)
    h = jax.nn.relu(h)
    h = h @ Wb + bb
    if outer_relu:
        h = jax.nn.relu(h)
    return h

def reference(x, edge_index, eps1, W1, b1, g1, be1, W2, b2, eps2, W3, b3, g3, be3, W4, b4):
    h = _gin_layer(x, edge_index, eps1, W1, b1, g1, be1, W2, b2, True)
    h = _gin_layer(h, edge_index, eps2, W3, b3, g3, be3, W4, b4, False)
    return h

if __name__ == "__main__":
    import jax
    _d = setup_inputs()
    print(jax.jit(kernel)(*tuple(_d.values())))

</pallas_src>

<mosaic_0001>
#map = affine_map<(d0, d1) -> (0, 0)>
#map1 = affine_map<(d0, d1) -> (0, 0, 0)>
module attributes {stable_mosaic.version = 14 : i64} {
  func.func @seg_sum(%arg0: i32, %arg1: i32, %arg2: memref<10000x128xf32, #tpu.memory_space<hbm>>, %arg3: memref<2560x128xi32, #tpu.memory_space<hbm>>, %arg4: memref<2560x128xi32, #tpu.memory_space<hbm>>, %arg5: memref<2x10112x128xf32, #tpu.memory_space<hbm>>, %arg6: memref<40x128xi32, #tpu.memory_space<vmem>>, %arg7: memref<40x128xi32, #tpu.memory_space<vmem>>, %arg8: memref<128x128xf32, #tpu.memory_space<vmem>>, %arg9: memref<128x128xf32, #tpu.memory_space<vmem>>, %arg10: memref<10112x128xf32, #tpu.memory_space<vmem_shared>>, %arg11: memref<!tpu.dma_semaphore, #tpu.memory_space<semaphore_mem>>, %arg12: memref<!tpu.dma_semaphore, #tpu.memory_space<semaphore_mem>>) attributes {dimension_semantics = [#tpu.dimension_semantics<core_parallel>, #tpu.dimension_semantics<subcore_parallel>], iteration_bounds = array<i64: 2, 16>, scalar_prefetch = 0 : i64, scratch_operands = 7 : i64, tpu.core_type = #tpu.core_type<sc_vector_subcore>, window_params = [{transform_indices = #map}, {transform_indices = #map}, {transform_indices = #map}, {transform_indices = #map1}]} {
    %mul3A = arith.constant 16 : i32
    %mul3A_0 = arith.muli %arg0, %mul3A : i32
    %add3A = arith.addi %mul3A_0, %arg1 : i32
    %scan3A = arith.constant 0 : i32
    %scan3A_1 = arith.constant 0 : i32
    %scan3A_2 = arith.constant 128 : i32
    %scan3A_3 = arith.addi %scan3A_1, %scan3A_2 : i32
    %scan3A_4 = arith.constant 1 : i32
    %scan3A_5 = scf.for %scan3A_41 = %scan3A_1 to %scan3A_3 step %scan3A_4 iter_args(%scan3A_42 = %scan3A) -> (i32)  : i32 {
      %scan3A_43 = arith.constant 0 : i32
      %scan3A_44 = arith.constant 0 : i32
      %scan3A_45 = arith.constant 8 : i32
      %scan3A_46 = arith.addi %scan3A_44, %scan3A_45 : i32
      %scan3A_47 = arith.constant 1 : i32
      %scan3A_48 = scf.for %scan3A_50 = %scan3A_44 to %scan3A_46 step %scan3A_47 iter_args(%scan3A_51 = %scan3A_43) -> (i32)  : i32 {
        %broadcast_in_dim3A = arith.constant 0.000000e+00 : f32
        %broadcast_in_dim3A_52 = vector.broadcast %broadcast_in_dim3A : f32 to vector<16xf32>
        %mul3A_53 = arith.constant 16 : i32
        %mul3A_54 = arith.muli %scan3A_50, %mul3A_53 : i32
        %swap3A = arith.index_cast %scan3A_41 : i32 to index
        %swap3A_55 = arith.index_cast %mul3A_54 : i32 to index
        %swap3A_56 = tpu.vector_load %arg8[%swap3A, %swap3A_55] {strides = array<i32>} : memref<128x128xf32, #tpu.memory_space<vmem>>, vector<1x16xf32>,
        %swap3A_57 = vector.shape_cast %swap3A_56 : vector<1x16xf32> to vector<16xf32>
        %swap3A_58 = vector.shape_cast %broadcast_in_dim3A_52 : vector<16xf32> to vector<1x16xf32>
        tpu.vector_store %arg8[%swap3A, %swap3A_55], %swap3A_58 {strides = array<i32>} : memref<128x128xf32, #tpu.memory_space<vmem>>, vector<1x16xf32>,
        %scan3A_59 = arith.constant 0 : i32
        scf.yield %scan3A_59 : i32
      }
      %scan3A_49 = arith.constant 8 : i32
      scf.yield %scan3A_48 : i32
    }
    %scan3A_6 = arith.constant 128 : i32
    %mul3A_7 = arith.constant 632 : i32
    %mul3A_8 = arith.muli %arg1, %mul3A_7 : i32
    %add3A_9 = arith.constant 0 : i32
    %add3A_10 = arith.addi %mul3A_8, %add3A_9 : i32
    "tpu.region"() ({
      %run_scoped3A = tpu.sem_alloc : memref<!tpu.dma_semaphore, #tpu.memory_space<semaphore_mem>>
      %dma_start3A = arith.constant 0 : i32
      %dma_start3A_41 = arith.constant 0 : i32
      %dma_start3A_42 = tpu.memref_slice %arg8[%dma_start3A, %dma_start3A_41] : memref<128x128xf32, #tpu.memory_space<vmem>> -> memref<128x128xf32, #tpu.memory_space<vmem>>
      %dma_start3A_43 = arith.constant 0 : i32
      %dma_start3A_44 = tpu.memref_slice %arg10[%add3A_10, %dma_start3A_43] : memref<10112x128xf32, #tpu.memory_space<vmem_shared>> -> memref<128x128xf32, #tpu.memory_space<vmem_shared>>
      %dma_start3A_45 = arith.constant 0 : i32
      %dma_start3A_46 = tpu.memref_slice %arg10[%add3A_10, %dma_start3A_45] : memref<10112x128xf32, #tpu.memory_space<vmem_shared>> -> memref<128x128xf32, #tpu.memory_space<vmem_shared>>
      %dma_start3A_47 = arith.constant 0 : i32
      %dma_start3A_48 = arith.constant 0 : i32
      %dma_start3A_49 = tpu.memref_slice %arg8[%dma_start3A_47, %dma_start3A_48] : memref<128x128xf32, #tpu.memory_space<vmem>> -> memref<128x128xf32, #tpu.memory_space<vmem>>
      tpu.enqueue_dma source(%dma_start3A_49 : memref<128x128xf32, #tpu.memory_space<vmem>>) target(%dma_start3A_46 : memref<128x128xf32, #tpu.memory_space<vmem_shared>>) target_semaphore(%run_scoped3A : memref<!tpu.dma_semaphore, #tpu.memory_space<semaphore_mem>>)
      %dma_wait3A = arith.constant 0 : i32
      %dma_wait3A_50 = arith.constant 0 : i32
      %dma_wait3A_51 = tpu.memref_slice %arg8[%dma_wait3A, %dma_wait3A_50] : memref<128x128xf32, #tpu.memory_space<vmem>> -> memref<128x128xf32, #tpu.memory_space<vmem>>
      %dma_wait3A_52 = arith.constant 0 : i32
      %dma_wait3A_53 = tpu.memref_slice %arg10[%add3A_10, %dma_wait3A_52] : memref<10112x128xf32, #tpu.memory_space<vmem_shared>> -> memref<128x128xf32, #tpu.memory_space<vmem_shared>>
      %dma_wait3A_54 = arith.constant 0 : i32
      %dma_wait3A_55 = tpu.memref_slice %arg10[%add3A_10, %dma_wait3A_54] : memref<10112x128xf32, #tpu.memory_space<vmem_shared>> -> memref<128x128xf32, #tpu.memory_space<vmem_shared>>
      %dma_wait3A_56 = arith.constant 0 : i32
      %dma_wait3A_57 = arith.constant 0 : i32
      %dma_wait3A_58 = tpu.memref_slice %arg8[%dma_wait3A_56, %dma_wait3A_57] : memref<128x128xf32, #tpu.memory_space<vmem>> -> memref<128x128xf32, #tpu.memory_space<vmem>>
      tpu.wait_dma2 semaphore(%run_scoped3A : memref<!tpu.dma_semaphore, #tpu.memory_space<semaphore_mem>>) src(%dma_wait3A_58 : memref<128x128xf32, #tpu.memory_space<vmem>>) dst(%dma_wait3A_55 : memref<128x128xf32, #tpu.memory_space<vmem_shared>>)
      tpu.yield
    }) : () -> ()
    %mul3A_11 = arith.constant 632 : i32
    %mul3A_12 = arith.muli %arg1, %mul3A_11 : i32
    %add3A_13 = arith.constant 128 : i32
    %add3A_14 = arith.addi %mul3A_12, %add3A_13 : i32
    "tpu.region"() ({
      %run_scoped3A = tpu.sem_alloc : memref<!tpu.dma_semaphore, #tpu.memory_space<semaphore_mem>>
      %dma_start3A = arith.constant 0 : i32
      %dma_start3A_41 = arith.constant 0 : i32
      %dma_start3A_42 = tpu.memref_slice %arg8[%dma_start3A, %dma_start3A_41] : memref<128x128xf32, #tpu.memory_space<vmem>> -> memref<128x128xf32, #tpu.memory_space<vmem>>
      %dma_start3A_43 = arith.constant 0 : i32
      %dma_start3A_44 = tpu.memref_slice %arg10[%add3A_14, %dma_start3A_43] : memref<10112x128xf32, #tpu.memory_space<vmem_shared>> -> memref<128x128xf32, #tpu.memory_space<vmem_shared>>
      %dma_start3A_45 = arith.constant 0 : i32
      %dma_start3A_46 = tpu.memref_slice %arg10[%add3A_14, %dma_start3A_45] : memref<10112x128xf32, #tpu.memory_space<vmem_shared>> -> memref<128x128xf32, #tpu.memory_space<vmem_shared>>
      %dma_start3A_47 = arith.constant 0 : i32
      %dma_start3A_48 = arith.constant 0 : i32
      %dma_start3A_49 = tpu.memref_slice %arg8[%dma_start3A_47, %dma_start3A_48] : memref<128x128xf32, #tpu.memory_space<vmem>> -> memref<128x128xf32, #tpu.memory_space<vmem>>
      tpu.enqueue_dma source(%dma_start3A_49 : memref<128x128xf32, #tpu.memory_space<vmem>>) target(%dma_start3A_46 : memref<128x128xf32, #tpu.memory_space<vmem_shared>>) target_semaphore(%run_scoped3A : memref<!tpu.dma_semaphore, #tpu.memory_space<semaphore_mem>>)
      %dma_wait3A = arith.constant 0 : i32
      %dma_wait3A_50 = arith.constant 0 : i32
      %dma_wait3A_51 = tpu.memref_slice %arg8[%dma_wait3A, %dma_wait3A_50] : memref<128x128xf32, #tpu.memory_space<vmem>> -> memref<128x128xf32, #tpu.memory_space<vmem>>
      %dma_wait3A_52 = arith.constant 0 : i32
      %dma_wait3A_53 = tpu.memref_slice %arg10[%add3A_14, %dma_wait3A_52] : memref<10112x128xf32, #tpu.memory_space<vmem_shared>> -> memref<128x128xf32, #tpu.memory_space<vmem_shared>>
      %dma_wait3A_54 = arith.constant 0 : i32
      %dma_wait3A_55 = tpu.memref_slice %arg10[%add3A_14, %dma_wait3A_54] : memref<10112x128xf32, #tpu.memory_space<vmem_shared>> -> memref<128x128xf32, #tpu.memory_space<vmem_shared>>
      %dma_wait3A_56 = arith.constant 0 : i32
      %dma_wait3A_57 = arith.constant 0 : i32
      %dma_wait3A_58 = tpu.memref_slice %arg8[%dma_wait3A_56, %dma_wait3A_57] : memref<128x128xf32, #tpu.memory_space<vmem>> -> memref<128x128xf32, #tpu.memory_space<vmem>>
      tpu.wait_dma2 semaphore(%run_scoped3A : memref<!tpu.dma_semaphore, #tpu.memory_space<semaphore_mem>>) src(%dma_wait3A_58 : memref<128x128xf32, #tpu.memory_space<vmem>>) dst(%dma_wait3A_55 : memref<128x128xf32, #tpu.memory_space<vmem_shared>>)
      tpu.yield
    }) : () -> ()
    %mul3A_15 = arith.constant 632 : i32
    %mul3A_16 = arith.muli %arg1, %mul3A_15 : i32
    %add3A_17 = arith.constant 256 : i32
    %add3A_18 = arith.addi %mul3A_16, %add3A_17 : i32
    "tpu.region"() ({
      %run_scoped3A = tpu.sem_alloc : memref<!tpu.dma_semaphore, #tpu.memory_space<semaphore_mem>>
      %dma_start3A = arith.constant 0 : i32
      %dma_start3A_41 = arith.constant 0 : i32
      %dma_start3A_42 = tpu.memref_slice %arg8[%dma_start3A, %dma_start3A_41] : memref<128x128xf32, #tpu.memory_space<vmem>> -> memref<128x128xf32, #tpu.memory_space<vmem>>
      %dma_start3A_43 = arith.constant 0 : i32
      %dma_start3A_44 = tpu.memref_slice %arg10[%add3A_18, %dma_start3A_43] : memref<10112x128xf32, #tpu.memory_space<vmem_shared>> -> memref<128x128xf32, #tpu.memory_space<vmem_shared>>
      %dma_start3A_45 = arith.constant 0 : i32
      %dma_start3A_46 = tpu.memref_slice %arg10[%add3A_18, %dma_start3A_45] : memref<10112x128xf32, #tpu.memory_space<vmem_shared>> -> memref<128x128xf32, #tpu.memory_space<vmem_shared>>
      %dma_start3A_47 = arith.constant 0 : i32
      %dma_start3A_48 = arith.constant 0 : i32
      %dma_start3A_49 = tpu.memref_slice %arg8[%dma_start3A_47, %dma_start3A_48] : memref<128x128xf32, #tpu.memory_space<vmem>> -> memref<128x128xf32, #tpu.memory_space<vmem>>
      tpu.enqueue_dma source(%dma_start3A_49 : memref<128x128xf32, #tpu.memory_space<vmem>>) target(%dma_start3A_46 : memref<128x128xf32, #tpu.memory_space<vmem_shared>>) target_semaphore(%run_scoped3A : memref<!tpu.dma_semaphore, #tpu.memory_space<semaphore_mem>>)
      %dma_wait3A = arith.constant 0 : i32
      %dma_wait3A_50 = arith.constant 0 : i32
      %dma_wait3A_51 = tpu.memref_slice %arg8[%dma_wait3A, %dma_wait3A_50] : memref<128x128xf32, #tpu.memory_space<vmem>> -> memref<128x128xf32, #tpu.memory_space<vmem>>
      %dma_wait3A_52 = arith.constant 0 : i32
      %dma_wait3A_53 = tpu.memref_slice %arg10[%add3A_18, %dma_wait3A_52] : memref<10112x128xf32, #tpu.memory_space<vmem_shared>> -> memref<128x128xf32, #tpu.memory_space<vmem_shared>>
      %dma_wait3A_54 = arith.constant 0 : i32
      %dma_wait3A_55 = tpu.memref_slice %arg10[%add3A_18, %dma_wait3A_54] : memref<10112x128xf32, #tpu.memory_space<vmem_shared>> -> memref<128x128xf32, #tpu.memory_space<vmem_shared>>
      %dma_wait3A_56 = arith.constant 0 : i32
      %dma_wait3A_57 = arith.constant 0 : i32
      %dma_wait3A_58 = tpu.memref_slice %arg8[%dma_wait3A_56, %dma_wait3A_57] : memref<128x128xf32, #tpu.memory_space<vmem>> -> memref<128x128xf32, #tpu.memory_space<vmem>>
      tpu.wait_dma2 semaphore(%run_scoped3A : memref<!tpu.dma_semaphore, #tpu.memory_space<semaphore_mem>>) src(%dma_wait3A_58 : memref<128x128xf32, #tpu.memory_space<vmem>>) dst(%dma_wait3A_55 : memref<128x128xf32, #tpu.memory_space<vmem_shared>>)
      tpu.yield
    }) : () -> ()
    %mul3A_19 = arith.constant 632 : i32
    %mul3A_20 = arith.muli %arg1, %mul3A_19 : i32
    %add3A_21 = arith.constant 384 : i32
    %add3A_22 = arith.addi %mul3A_20, %add3A_21 : i32
    "tpu.region"() ({
      %run_scoped3A = tpu.sem_alloc : memref<!tpu.dma_semaphore, #tpu.memory_space<semaphore_mem>>
      %dma_start3A = arith.constant 0 : i32
      %dma_start3A_41 = arith.constant 0 : i32
      %dma_start3A_42 = tpu.memref_slice %arg8[%dma_start3A, %dma_start3A_41] : memref<128x128xf32, #tpu.memory_space<vmem>> -> memref<128x128xf32, #tpu.memory_space<vmem>>
      %dma_start3A_43 = arith.constant 0 : i32
      %dma_start3A_44 = tpu.memref_slice %arg10[%add3A_22, %dma_start3A_43] : memref<10112x128xf32, #tpu.memory_space<vmem_shared>> -> memref<128x128xf32, #tpu.memory_space<vmem_shared>>
      %dma_start3A_45 = arith.constant 0 : i32
      %dma_start3A_46 = tpu.memref_slice %arg10[%add3A_22, %dma_start3A_45] : memref<10112x128xf32, #tpu.memory_space<vmem_shared>> -> memref<128x128xf32, #tpu.memory_space<vmem_shared>>
      %dma_start3A_47 = arith.constant 0 : i32
      %dma_start3A_48 = arith.constant 0 : i32
      %dma_start3A_49 = tpu.memref_slice %arg8[%dma_start3A_47, %dma_start3A_48] : memref<128x128xf32, #tpu.memory_space<vmem>> -> memref<128x128xf32, #tpu.memory_space<vmem>>
      tpu.enqueue_dma source(%dma_start3A_49 : memref<128x128xf32, #tpu.memory_space<vmem>>) target(%dma_start3A_46 : memref<128x128xf32, #tpu.memory_space<vmem_shared>>) target_semaphore(%run_scoped3A : memref<!tpu.dma_semaphore, #tpu.memory_space<semaphore_mem>>)
      %dma_wait3A = arith.constant 0 : i32
      %dma_wait3A_50 = arith.constant 0 : i32
      %dma_wait3A_51 = tpu.memref_slice %arg8[%dma_wait3A, %dma_wait3A_50] : memref<128x128xf32, #tpu.memory_space<vmem>> -> memref<128x128xf32, #tpu.memory_space<vmem>>
      %dma_wait3A_52 = arith.constant 0 : i32
      %dma_wait3A_53 = tpu.memref_slice %arg10[%add3A_22, %dma_wait3A_52] : memref<10112x128xf32, #tpu.memory_space<vmem_shared>> -> memref<128x128xf32, #tpu.memory_space<vmem_shared>>
      %dma_wait3A_54 = arith.constant 0 : i32
      %dma_wait3A_55 = tpu.memref_slice %arg10[%add3A_22, %dma_wait3A_54] : memref<10112x128xf32, #tpu.memory_space<vmem_shared>> -> memref<128x128xf32, #tpu.memory_space<vmem_shared>>
      %dma_wait3A_56 = arith.constant 0 : i32
      %dma_wait3A_57 = arith.constant 0 : i32
      %dma_wait3A_58 = tpu.memref_slice %arg8[%dma_wait3A_56, %dma_wait3A_57] : memref<128x128xf32, #tpu.memory_space<vmem>> -> memref<128x128xf32, #tpu.memory_space<vmem>>
      tpu.wait_dma2 semaphore(%run_scoped3A : memref<!tpu.dma_semaphore, #tpu.memory_space<semaphore_mem>>) src(%dma_wait3A_58 : memref<128x128xf32, #tpu.memory_space<vmem>>) dst(%dma_wait3A_55 : memref<128x128xf32, #tpu.memory_space<vmem_shared>>)
      tpu.yield
    }) : () -> ()
    %mul3A_23 = arith.constant 632 : i32
    %mul3A_24 = arith.muli %arg1, %mul3A_23 : i32
    %add3A_25 = arith.constant 512 : i32
    %add3A_26 = arith.addi %mul3A_24, %add3A_25 : i32
    "tpu.region"() ({
      %run_scoped3A = tpu.sem_alloc : memref<!tpu.dma_semaphore, #tpu.memory_space<semaphore_mem>>
      %dma_start3A = arith.constant 0 : i32
      %dma_start3A_41 = arith.constant 0 : i32
      %dma_start3A_42 = tpu.memref_slice %arg8[%dma_start3A, %dma_start3A_41] : memref<128x128xf32, #tpu.memory_space<vmem>> -> memref<120x128xf32, #tpu.memory_space<vmem>>
      %dma_start3A_43 = arith.constant 0 : i32
      %dma_start3A_44 = tpu.memref_slice %arg10[%add3A_26, %dma_start3A_43] : memref<10112x128xf32, #tpu.memory_space<vmem_shared>> -> memref<120x128xf32, #tpu.memory_space<vmem_shared>>
      %dma_start3A_45 = arith.constant 0 : i32
      %dma_start3A_46 = tpu.memref_slice %arg10[%add3A_26, %dma_start3A_45] : memref<10112x128xf32, #tpu.memory_space<vmem_shared>> -> memref<120x128xf32, #tpu.memory_space<vmem_shared>>
      %dma_start3A_47 = arith.constant 0 : i32
      %dma_start3A_48 = arith.constant 0 : i32
      %dma_start3A_49 = tpu.memref_slice %arg8[%dma_start3A_47, %dma_start3A_48] : memref<128x128xf32, #tpu.memory_space<vmem>> -> memref<120x128xf32, #tpu.memory_space<vmem>>
      tpu.enqueue_dma source(%dma_start3A_49 : memref<120x128xf32, #tpu.memory_space<vmem>>) target(%dma_start3A_46 : memref<120x128xf32, #tpu.memory_space<vmem_shared>>) target_semaphore(%run_scoped3A : memref<!tpu.dma_semaphore, #tpu.memory_space<semaphore_mem>>)
      %dma_wait3A = arith.constant 0 : i32
      %dma_wait3A_50 = arith.constant 0 : i32
      %dma_wait3A_51 = tpu.memref_slice %arg8[%dma_wait3A, %dma_wait3A_50] : memref<128x128xf32, #tpu.memory_space<vmem>> -> memref<120x128xf32, #tpu.memory_space<vmem>>
      %dma_wait3A_52 = arith.constant 0 : i32
      %dma_wait3A_53 = tpu.memref_slice %arg10[%add3A_26, %dma_wait3A_52] : memref<10112x128xf32, #tpu.memory_space<vmem_shared>> -> memref<120x128xf32, #tpu.memory_space<vmem_shared>>
      %dma_wait3A_54 = arith.constant 0 : i32
      %dma_wait3A_55 = tpu.memref_slice %arg10[%add3A_26, %dma_wait3A_54] : memref<10112x128xf32, #tpu.memory_space<vmem_shared>> -> memref<120x128xf32, #tpu.memory_space<vmem_shared>>
      %dma_wait3A_56 = arith.constant 0 : i32
      %dma_wait3A_57 = arith.constant 0 : i32
      %dma_wait3A_58 = tpu.memref_slice %arg8[%dma_wait3A_56, %dma_wait3A_57] : memref<128x128xf32, #tpu.memory_space<vmem>> -> memref<120x128xf32, #tpu.memory_space<vmem>>
      tpu.wait_dma2 semaphore(%run_scoped3A : memref<!tpu.dma_semaphore, #tpu.memory_space<semaphore_mem>>) src(%dma_wait3A_58 : memref<120x128xf32, #tpu.memory_space<vmem>>) dst(%dma_wait3A_55 : memref<120x128xf32, #tpu.memory_space<vmem_shared>>)
      tpu.yield
    }) : () -> ()
    %barrier3A = arith.constant 0 : index
    tpu.barrier barrier_id(%barrier3A)
    %mul3A_27 = arith.constant 80 : i32
    %mul3A_28 = arith.muli %add3A, %mul3A_27 : i32
    %scan3A_29 = arith.constant 0 : i32
    %scan3A_30 = arith.constant 0 : i32
    %scan3A_31 = arith.constant 2 : i32
    %scan3A_32 = arith.addi %scan3A_30, %scan3A_31 : i32
    %scan3A_33 = arith.constant 1 : i32
    %scan3A_34 = scf.for %scan3A_41 = %scan3A_30 to %scan3A_32 step %scan3A_33 iter_args(%scan3A_42 = %scan3A_29) -> (i32)  : i32 {
      %mul3A_43 = arith.constant 40 : i32
      %mul3A_44 = arith.muli %scan3A_41, %mul3A_43 : i32
      %add3A_45 = arith.addi %mul3A_28, %mul3A_44 : i32
      "tpu.region"() ({
        %run_scoped3A = tpu.sem_alloc : memref<!tpu.dma_semaphore, #tpu.memory_space<semaphore_mem>>
        %dma_start3A_60 = arith.constant 0 : i32
        %dma_start3A_61 = tpu.memref_slice %arg3[%add3A_45, %dma_start3A_60] : memref<2560x128xi32, #tpu.memory_space<hbm>> -> memref<40x128xi32, #tpu.memory_space<hbm>>
        %dma_start3A_62 = arith.constant 0 : i32
        %dma_start3A_63 = tpu.memref_slice %arg3[%add3A_45, %dma_start3A_62] : memref<2560x128xi32, #tpu.memory_space<hbm>> -> memref<40x128xi32, #tpu.memory_space<hbm>>
        tpu.enqueue_dma source(%dma_start3A_63 : memref<40x128xi32, #tpu.memory_space<hbm>>) target(%arg6 : memref<40x128xi32, #tpu.memory_space<vmem>>) target_semaphore(%run_scoped3A : memref<!tpu.dma_semaphore, #tpu.memory_space<semaphore_mem>>)
        %dma_wait3A = arith.constant 0 : i32
        %dma_wait3A_64 = tpu.memref_slice %arg3[%add3A_45, %dma_wait3A] : memref<2560x128xi32, #tpu.memory_space<hbm>> -> memref<40x128xi32, #tpu.memory_space<hbm>>
        %dma_wait3A_65 = arith.constant 0 : i32
        %dma_wait3A_66 = tpu.memref_slice %arg3[%add3A_45, %dma_wait3A_65] : memref<2560x128xi32, #tpu.memory_space<hbm>> -> memref<40x128xi32, #tpu.memory_space<hbm>>
        tpu.wait_dma2 semaphore(%run_scoped3A : memref<!tpu.dma_semaphore, #tpu.memory_space<semaphore_mem>>) src(%dma_wait3A_66 : memref<40x128xi32, #tpu.memory_space<hbm>>) dst(%arg6 : memref<40x128xi32, #tpu.memory_space<vmem>>)
        tpu.yield
      }) : () -> ()
      "tpu.region"() ({
        %run_scoped3A = tpu.sem_alloc : memref<!tpu.dma_semaphore, #tpu.memory_space<semaphore_mem>>
        %dma_start3A_60 = arith.constant 0 : i32
        %dma_start3A_61 = tpu.memref_slice %arg4[%add3A_45, %dma_start3A_60] : memref<2560x128xi32, #tpu.memory_space<hbm>> -> memref<40x128xi32, #tpu.memory_space<hbm>>
        %dma_start3A_62 = arith.constant 0 : i32
        %dma_start3A_63 = tpu.memref_slice %arg4[%add3A_45, %dma_start3A_62] : memref<2560x128xi32, #tpu.memory_space<hbm>> -> memref<40x128xi32, #tpu.memory_space<hbm>>
        tpu.enqueue_dma source(%dma_start3A_63 : memref<40x128xi32, #tpu.memory_space<hbm>>) target(%arg7 : memref<40x128xi32, #tpu.memory_space<vmem>>) target_semaphore(%run_scoped3A : memref<!tpu.dma_semaphore, #tpu.memory_space<semaphore_mem>>)
        %dma_wait3A = arith.constant 0 : i32
        %dma_wait3A_64 = tpu.memref_slice %arg4[%add3A_45, %dma_wait3A] : memref<2560x128xi32, #tpu.memory_space<hbm>> -> memref<40x128xi32, #tpu.memory_space<hbm>>
        %dma_wait3A_65 = arith.constant 0 : i32
        %dma_wait3A_66 = tpu.memref_slice %arg4[%add3A_45, %dma_wait3A_65] : memref<2560x128xi32, #tpu.memory_space<hbm>> -> memref<40x128xi32, #tpu.memory_space<hbm>>
        tpu.wait_dma2 semaphore(%run_scoped3A : memref<!tpu.dma_semaphore, #tpu.memory_space<semaphore_mem>>) src(%dma_wait3A_66 : memref<40x128xi32, #tpu.memory_space<hbm>>) dst(%arg7 : memref<40x128xi32, #tpu.memory_space<vmem>>)
        tpu.yield
      }) : () -> ()
      %dma_start3A = arith.constant 0 : i32
      %dma_start3A_46 = arith.constant 0 : i32
      %dma_start3A_47 = tpu.memref_slice %arg6[%dma_start3A, %dma_start3A_46] : memref<40x128xi32, #tpu.memory_space<vmem>> -> memref<1x128xi32, #tpu.memory_space<vmem>>
      %dma_start3A_48 = tpu.memref_squeeze %dma_start3A_47 : memref<1x128xi32, #tpu.memory_space<vmem>> -> memref<128xi32, #tpu.memory_space<vmem>>
      %dma_start3A_49 = arith.constant 0 : i32
      %dma_start3A_50 = arith.constant 0 : i32
      %dma_start3A_51 = tpu.memref_slice %arg2[%dma_start3A_49, %dma_start3A_50] : memref<10000x128xf32, #tpu.memory_space<hbm>> -> memref<10000x128xf32, #tpu.memory_space<hbm>>
      tpu.enqueue_indirect_dma source(%dma_start3A_51 : memref<10000x128xf32, #tpu.memory_space<hbm>>) target(%arg8 : memref<128x128xf32, #tpu.memory_space<vmem>>) offsets(%dma_start3A_48 : memref<128xi32, #tpu.memory_space<vmem>>) semaphore(%arg11 : memref<!tpu.dma_semaphore, #tpu.memory_space<semaphore_mem>>)
      %scan3A_52 = arith.constant 0 : i32
      %scan3A_53 = arith.constant 0 : i32
      %scan3A_54 = arith.constant 20 : i32
      %scan3A_55 = arith.addi %scan3A_53, %scan3A_54 : i32
      %scan3A_56 = arith.constant 1 : i32
      %scan3A_57 = scf.for %scan3A_60 = %scan3A_53 to %scan3A_55 step %scan3A_56 iter_args(%scan3A_61 = %scan3A_52) -> (i32)  : i32 {
        %mul3A_62 = arith.constant 2 : i32
        %mul3A_63 = arith.muli %mul3A_62, %scan3A_60 : i32
        %add3A_64 = arith.constant 1 : i32
        %add3A_65 = arith.addi %mul3A_63, %add3A_64 : i32
        %dma_start3A_66 = arith.constant 0 : i32
        %dma_start3A_67 = tpu.memref_slice %arg6[%add3A_65, %dma_start3A_66] : memref<40x128xi32, #tpu.memory_space<vmem>> -> memref<1x128xi32, #tpu.memory_space<vmem>>
        %dma_start3A_68 = tpu.memref_squeeze %dma_start3A_67 : memref<1x128xi32, #tpu.memory_space<vmem>> -> memref<128xi32, #tpu.memory_space<vmem>>
        %dma_start3A_69 = arith.constant 0 : i32
        %dma_start3A_70 = arith.constant 0 : i32
        %dma_start3A_71 = tpu.memref_slice %arg2[%dma_start3A_69, %dma_start3A_70] : memref<10000x128xf32, #tpu.memory_space<hbm>> -> memref<10000x128xf32, #tpu.memory_space<hbm>>
        tpu.enqueue_indirect_dma source(%dma_start3A_71 : memref<10000x128xf32, #tpu.memory_space<hbm>>) target(%arg9 : memref<128x128xf32, #tpu.memory_space<vmem>>) offsets(%dma_start3A_68 : memref<128xi32, #tpu.memory_space<vmem>>) semaphore(%arg12 : memref<!tpu.dma_semaphore, #tpu.memory_space<semaphore_mem>>)
        %dma_wait3A = arith.constant 0 : i32
        %dma_wait3A_72 = arith.constant 0 : i32
        %dma_wait3A_73 = tpu.memref_slice %arg2[%dma_wait3A, %dma_wait3A_72] : memref<10000x128xf32, #tpu.memory_space<hbm>> -> memref<128x128xf32, #tpu.memory_space<hbm>>
        %dma_wait3A_74 = arith.constant 0 : i32
        %dma_wait3A_75 = arith.constant 0 : i32
        %dma_wait3A_76 = tpu.memref_slice %arg2[%dma_wait3A_74, %dma_wait3A_75] : memref<10000x128xf32, #tpu.memory_space<hbm>> -> memref<128x128xf32, #tpu.memory_space<hbm>>
        tpu.wait_dma2 semaphore(%arg11 : memref<!tpu.dma_semaphore, #tpu.memory_space<semaphore_mem>>) src(%dma_wait3A_76 : memref<128x128xf32, #tpu.memory_space<hbm>>) dst(%arg8 : memref<128x128xf32, #tpu.memory_space<vmem>>)
        %mul3A_77 = arith.constant 2 : i32
        %mul3A_78 = arith.muli %mul3A_77, %scan3A_60 : i32
        "tpu.region"() ({
          %run_scoped3A = tpu.sem_alloc : memref<!tpu.dma_semaphore, #tpu.memory_space<semaphore_mem>>
          %dma_start3A_92 = arith.constant 0 : i32
          %dma_start3A_93 = tpu.memref_slice %arg7[%mul3A_78, %dma_start3A_92] : memref<40x128xi32, #tpu.memory_space<vmem>> -> memref<1x128xi32, #tpu.memory_space<vmem>>
          %dma_start3A_94 = tpu.memref_squeeze %dma_start3A_93 : memref<1x128xi32, #tpu.memory_space<vmem>> -> memref<128xi32, #tpu.memory_space<vmem>>
          %dma_start3A_95 = arith.constant 0 : i32
          %dma_start3A_96 = arith.constant 0 : i32
          %dma_start3A_97 = tpu.memref_slice %arg10[%dma_start3A_95, %dma_start3A_96] : memref<10112x128xf32, #tpu.memory_space<vmem_shared>> -> memref<10112x128xf32, #tpu.memory_space<vmem_shared>>
          tpu.enqueue_indirect_dma source(%arg8 : memref<128x128xf32, #tpu.memory_space<vmem>>) target(%dma_start3A_97 : memref<10112x128xf32, #tpu.memory_space<vmem_shared>>) offsets(%dma_start3A_94 : memref<128xi32, #tpu.memory_space<vmem>>) semaphore(%run_scoped3A : memref<!tpu.dma_semaphore, #tpu.memory_space<semaphore_mem>>) {add = true}
          %dma_wait3A_98 = arith.constant 0 : i32
          %dma_wait3A_99 = tpu.memref_slice %arg7[%mul3A_78, %dma_wait3A_98] : memref<40x128xi32, #tpu.memory_space<vmem>> -> memref<1x128xi32, #tpu.memory_space<vmem>>
          %dma_wait3A_100 = tpu.memref_squeeze %dma_wait3A_99 : memref<1x128xi32, #tpu.memory_space<vmem>> -> memref<128xi32, #tpu.memory_space<vmem>>
          %dma_wait3A_101 = arith.constant 0 : i32
          %dma_wait3A_102 = arith.constant 0 : i32
          %dma_wait3A_103 = tpu.memref_slice %arg10[%dma_wait3A_101, %dma_wait3A_102] : memref<10112x128xf32, #tpu.memory_space<vmem_shared>> -> memref<10112x128xf32, #tpu.memory_space<vmem_shared>>
          tpu.wait_indirect_dma semaphore(%run_scoped3A : memref<!tpu.dma_semaphore, #tpu.memory_space<semaphore_mem>>) src(%arg8 : memref<128x128xf32, #tpu.memory_space<vmem>>) dst(%dma_wait3A_103 : memref<10112x128xf32, #tpu.memory_space<vmem_shared>>)
          tpu.yield
        }) : () -> ()
        %lt3A = arith.constant 19 : i32
        %lt3A_79 = arith.cmpi slt, %scan3A_60, %lt3A : i32
        %convert_element_type3A = arith.extui %lt3A_79 : i1 to i32
        %cond3A = arith.constant 0 : i32
        %cond3A_80 = arith.cmpi ne, %convert_element_type3A, %cond3A : i32
        scf.if %cond3A_80 {
          %mul3A_92 = arith.constant 2 : i32
          %mul3A_93 = arith.muli %mul3A_92, %scan3A_60 : i32
          %add3A_94 = arith.constant 2 : i32
          %add3A_95 = arith.addi %mul3A_93, %add3A_94 : i32
          %dma_start3A_96 = arith.constant 0 : i32
          %dma_start3A_97 = tpu.memref_slice %arg6[%add3A_95, %dma_start3A_96] : memref<40x128xi32, #tpu.memory_space<vmem>> -> memref<1x128xi32, #tpu.memory_space<vmem>>
          %dma_start3A_98 = tpu.memref_squeeze %dma_start3A_97 : memref<1x128xi32, #tpu.memory_space<vmem>> -> memref<128xi32, #tpu.memory_space<vmem>>
          %dma_start3A_99 = arith.constant 0 : i32
          %dma_start3A_100 = arith.constant 0 : i32
          %dma_start3A_101 = tpu.memref_slice %arg2[%dma_start3A_99, %dma_start3A_100] : memref<10000x128xf32, #tpu.memory_space<hbm>> -> memref<10000x128xf32, #tpu.memory_space<hbm>>
          tpu.enqueue_indirect_dma source(%dma_start3A_101 : memref<10000x128xf32, #tpu.memory_space<hbm>>) target(%arg8 : memref<128x128xf32, #tpu.memory_space<vmem>>) offsets(%dma_start3A_98 : memref<128xi32, #tpu.memory_space<vmem>>) semaphore(%arg11 : memref<!tpu.dma_semaphore, #tpu.memory_space<semaphore_mem>>)
        } else {
        }
        %dma_wait3A_81 = arith.constant 0 : i32
        %dma_wait3A_82 = arith.constant 0 : i32
        %dma_wait3A_83 = tpu.memref_slice %arg2[%dma_wait3A_81, %dma_wait3A_82] : memref<10000x128xf32, #tpu.memory_space<hbm>> -> memref<128x128xf32, #tpu.memory_space<hbm>>
        %dma_wait3A_84 = arith.constant 0 : i32
        %dma_wait3A_85 = arith.constant 0 : i32
        %dma_wait3A_86 = tpu.memref_slice %arg2[%dma_wait3A_84, %dma_wait3A_85] : memref<10000x128xf32, #tpu.memory_space<hbm>> -> memref<128x128xf32, #tpu.memory_space<hbm>>
        tpu.wait_dma2 semaphore(%arg12 : memref<!tpu.dma_semaphore, #tpu.memory_space<semaphore_mem>>) src(%dma_wait3A_86 : memref<128x128xf32, #tpu.memory_space<hbm>>) dst(%arg9 : memref<128x128xf32, #tpu.memory_space<vmem>>)
        %mul3A_87 = arith.constant 2 : i32
        %mul3A_88 = arith.muli %mul3A_87, %scan3A_60 : i32
        %add3A_89 = arith.constant 1 : i32
        %add3A_90 = arith.addi %mul3A_88, %add3A_89 : i32
        "tpu.region"() ({
          %run_scoped3A = tpu.sem_alloc : memref<!tpu.dma_semaphore, #tpu.memory_space<semaphore_mem>>
          %dma_start3A_92 = arith.constant 0 : i32
          %dma_start3A_93 = tpu.memref_slice %arg7[%add3A_90, %dma_start3A_92] : memref<40x128xi32, #tpu.memory_space<vmem>> -> memref<1x128xi32, #tpu.memory_space<vmem>>
          %dma_start3A_94 = tpu.memref_squeeze %dma_start3A_93 : memref<1x128xi32, #tpu.memory_space<vmem>> -> memref<128xi32, #tpu.memory_space<vmem>>
          %dma_start3A_95 = arith.constant 0 : i32
          %dma_start3A_96 = arith.constant 0 : i32
          %dma_start3A_97 = tpu.memref_slice %arg10[%dma_start3A_95, %dma_start3A_96] : memref<10112x128xf32, #tpu.memory_space<vmem_shared>> -> memref<10112x128xf32, #tpu.memory_space<vmem_shared>>
          tpu.enqueue_indirect_dma source(%arg9 : memref<128x128xf32, #tpu.memory_space<vmem>>) target(%dma_start3A_97 : memref<10112x128xf32, #tpu.memory_space<vmem_shared>>) offsets(%dma_start3A_94 : memref<128xi32, #tpu.memory_space<vmem>>) semaphore(%run_scoped3A : memref<!tpu.dma_semaphore, #tpu.memory_space<semaphore_mem>>) {add = true}
          %dma_wait3A_98 = arith.constant 0 : i32
          %dma_wait3A_99 = tpu.memref_slice %arg7[%add3A_90, %dma_wait3A_98] : memref<40x128xi32, #tpu.memory_space<vmem>> -> memref<1x128xi32, #tpu.memory_space<vmem>>
          %dma_wait3A_100 = tpu.memref_squeeze %dma_wait3A_99 : memref<1x128xi32, #tpu.memory_space<vmem>> -> memref<128xi32, #tpu.memory_space<vmem>>
          %dma_wait3A_101 = arith.constant 0 : i32
          %dma_wait3A_102 = arith.constant 0 : i32
          %dma_wait3A_103 = tpu.memref_slice %arg10[%dma_wait3A_101, %dma_wait3A_102] : memref<10112x128xf32, #tpu.memory_space<vmem_shared>> -> memref<10112x128xf32, #tpu.memory_space<vmem_shared>>
          tpu.wait_indirect_dma semaphore(%run_scoped3A : memref<!tpu.dma_semaphore, #tpu.memory_space<semaphore_mem>>) src(%arg9 : memref<128x128xf32, #tpu.memory_space<vmem>>) dst(%dma_wait3A_103 : memref<10112x128xf32, #tpu.memory_space<vmem_shared>>)
          tpu.yield
        }) : () -> ()
        %scan3A_91 = arith.constant 0 : i32
        scf.yield %scan3A_91 : i32
      }
      %scan3A_58 = arith.constant 20 : i32
      %scan3A_59 = arith.constant 0 : i32
      scf.yield %scan3A_59 : i32
    }
    %scan3A_35 = arith.constant 2 : i32
    %barrier3A_36 = arith.constant 0 : index
    tpu.barrier barrier_id(%barrier3A_36)
    %mul3A_37 = arith.constant 632 : i32
    %mul3A_38 = arith.muli %arg1, %mul3A_37 : i32
    %mul3A_39 = arith.constant 632 : i32
    %mul3A_40 = arith.muli %arg1, %mul3A_39 : i32
    "tpu.region"() ({
      %run_scoped3A = tpu.sem_alloc : memref<!tpu.dma_semaphore, #tpu.memory_space<semaphore_mem>>
      %dma_start3A = arith.constant 0 : i32
      %dma_start3A_41 = tpu.memref_slice %arg5[%arg0, %mul3A_40, %dma_start3A] : memref<2x10112x128xf32, #tpu.memory_space<hbm>> -> memref<1x632x128xf32, #tpu.memory_space<hbm>>
      %dma_start3A_42 = tpu.memref_squeeze %dma_start3A_41 : memref<1x632x128xf32, #tpu.memory_space<hbm>> -> memref<632x128xf32, #tpu.memory_space<hbm>>
      %dma_start3A_43 = arith.constant 0 : i32
      %dma_start3A_44 = tpu.memref_slice %arg10[%mul3A_38, %dma_start3A_43] : memref<10112x128xf32, #tpu.memory_space<vmem_shared>> -> memref<632x128xf32, #tpu.memory_space<vmem_shared>>
      tpu.enqueue_dma source(%dma_start3A_44 : memref<632x128xf32, #tpu.memory_space<vmem_shared>>) target(%dma_start3A_42 : memref<632x128xf32, #tpu.memory_space<hbm>>) target_semaphore(%run_scoped3A : memref<!tpu.dma_semaphore, #tpu.memory_space<semaphore_mem>>)
      %dma_wait3A = arith.constant 0 : i32
      %dma_wait3A_45 = tpu.memref_slice %arg5[%arg0, %mul3A_40, %dma_wait3A] : memref<2x10112x128xf32, #tpu.memory_space<hbm>> -> memref<1x632x128xf32, #tpu.memory_space<hbm>>
      %dma_wait3A_46 = tpu.memref_squeeze %dma_wait3A_45 : memref<1x632x128xf32, #tpu.memory_space<hbm>> -> memref<632x128xf32, #tpu.memory_space<hbm>>
      %dma_wait3A_47 = arith.constant 0 : i32
      %dma_wait3A_48 = tpu.memref_slice %arg10[%mul3A_38, %dma_wait3A_47] : memref<10112x128xf32, #tpu.memory_space<vmem_shared>> -> memref<632x128xf32, #tpu.memory_space<vmem_shared>>
      tpu.wait_dma2 semaphore(%run_scoped3A : memref<!tpu.dma_semaphore, #tpu.memory_space<semaphore_mem>>) src(%dma_wait3A_48 : memref<632x128xf32, #tpu.memory_space<vmem_shared>>) dst(%dma_wait3A_46 : memref<632x128xf32, #tpu.memory_space<hbm>>)
      tpu.yield
    }) : () -> ()
    return
  }
}

#map = affine_map<(d0, d1) -> (0, 0)>
#map1 = affine_map<(d0, d1) -> (0, 0, 0)>
module attributes {stable_mosaic.version = 14 : i64} {
  func.func @seg_sum(%arg0: i32, %arg1: i32, %arg2: memref<10000x128xf32, #tpu.memory_space<hbm>>, %arg3: memref<2560x128xi32, #tpu.memory_space<hbm>>, %arg4: memref<2560x128xi32, #tpu.memory_space<hbm>>, %arg5: memref<2x10112x128xf32, #tpu.memory_space<hbm>>, %arg6: memref<40x128xi32, #tpu.memory_space<vmem>>, %arg7: memref<40x128xi32, #tpu.memory_space<vmem>>, %arg8: memref<128x128xf32, #tpu.memory_space<vmem>>, %arg9: memref<128x128xf32, #tpu.memory_space<vmem>>, %arg10: memref<10112x128xf32, #tpu.memory_space<vmem_shared>>, %arg11: memref<!tpu.dma_semaphore, #tpu.memory_space<semaphore_mem>>, %arg12: memref<!tpu.dma_semaphore, #tpu.memory_space<semaphore_mem>>) attributes {dimension_semantics = [#tpu.dimension_semantics<core_parallel>, #tpu.dimension_semantics<subcore_parallel>], iteration_bounds = array<i64: 2, 16>, scalar_prefetch = 0 : i64, scratch_operands = 7 : i64, tpu.core_type = #tpu.core_type<sc_vector_subcore>, window_params = [{transform_indices = #map}, {transform_indices = #map}, {transform_indices = #map}, {transform_indices = #map1}]} {
    %mul3A = arith.constant 16 : i32
    %mul3A_0 = arith.muli %arg0, %mul3A : i32
    %add3A = arith.addi %mul3A_0, %arg1 : i32
    %scan3A = arith.constant 0 : i32
    %scan3A_1 = arith.constant 0 : i32
    %scan3A_2 = arith.constant 128 : i32
    %scan3A_3 = arith.addi %scan3A_1, %scan3A_2 : i32
    %scan3A_4 = arith.constant 1 : i32
    %scan3A_5 = scf.for %scan3A_41 = %scan3A_1 to %scan3A_3 step %scan3A_4 iter_args(%scan3A_42 = %scan3A) -> (i32)  : i32 {
      %scan3A_43 = arith.constant 0 : i32
      %scan3A_44 = arith.constant 0 : i32
      %scan3A_45 = arith.constant 8 : i32
      %scan3A_46 = arith.addi %scan3A_44, %scan3A_45 : i32
      %scan3A_47 = arith.constant 1 : i32
      %scan3A_48 = scf.for %scan3A_50 = %scan3A_44 to %scan3A_46 step %scan3A_47 iter_args(%scan3A_51 = %scan3A_43) -> (i32)  : i32 {
        %broadcast_in_dim3A = arith.constant 0.000000e+00 : f32
        %broadcast_in_dim3A_52 = vector.broadcast %broadcast_in_dim3A : f32 to vector<16xf32>
        %mul3A_53 = arith.constant 16 : i32
        %mul3A_54 = arith.muli %scan3A_50, %mul3A_53 : i32
        %swap3A = arith.index_cast %scan3A_41 : i32 to index
        %swap3A_55 = arith.index_cast %mul3A_54 : i32 to index
        %swap3A_56 = tpu.vector_load %arg8[%swap3A, %swap3A_55] {strides = array<i32>} : memref<128x128xf32, #tpu.memory_space<vmem>>, vector<1x16xf32>,
        %swap3A_57 = vector.shape_cast %swap3A_56 : vector<1x16xf32> to vector<16xf32>
        %swap3A_58 = vector.shape_cast %broadcast_in_dim3A_52 : vector<16xf32> to vector<1x16xf32>
        tpu.vector_store %arg8[%swap3A, %swap3A_55], %swap3A_58 {strides = array<i32>} : memref<128x128xf32, #tpu.memory_space<vmem>>, vector<1x16xf32>,
        %scan3A_59 = arith.constant 0 : i32
        scf.yield %scan3A_59 : i32
      }
      %scan3A_49 = arith.constant 8 : i32
      scf.yield %scan3A_48 : i32
    }
    %scan3A_6 = arith.constant 128 : i32
    %mul3A_7 = arith.constant 632 : i32
    %mul3A_8 = arith.muli %arg1, %mul3A_7 : i32
    %add3A_9 = arith.constant 0 : i32
    %add3A_10 = arith.addi %mul3A_8, %add3A_9 : i32
    "tpu.region"() ({
      %run_scoped3A = tpu.sem_alloc : memref<!tpu.dma_semaphore, #tpu.memory_space<semaphore_mem>>
      %dma_start3A = arith.constant 0 : i32
      %dma_start3A_41 = arith.constant 0 : i32
      %dma_start3A_42 = tpu.memref_slice %arg8[%dma_start3A, %dma_start3A_41] : memref<128x128xf32, #tpu.memory_space<vmem>> -> memref<128x128xf32, #tpu.memory_space<vmem>>
      %dma_start3A_43 = arith.constant 0 : i32
      %dma_start3A_44 = tpu.memref_slice %arg10[%add3A_10, %dma_start3A_43] : memref<10112x128xf32, #tpu.memory_space<vmem_shared>> -> memref<128x128xf32, #tpu.memory_space<vmem_shared>>
      %dma_start3A_45 = arith.constant 0 : i32
      %dma_start3A_46 = tpu.memref_slice %arg10[%add3A_10, %dma_start3A_45] : memref<10112x128xf32, #tpu.memory_space<vmem_shared>> -> memref<128x128xf32, #tpu.memory_space<vmem_shared>>
      %dma_start3A_47 = arith.constant 0 : i32
      %dma_start3A_48 = arith.constant 0 : i32
      %dma_start3A_49 = tpu.memref_slice %arg8[%dma_start3A_47, %dma_start3A_48] : memref<128x128xf32, #tpu.memory_space<vmem>> -> memref<128x128xf32, #tpu.memory_space<vmem>>
      tpu.enqueue_dma source(%dma_start3A_49 : memref<128x128xf32, #tpu.memory_space<vmem>>) target(%dma_start3A_46 : memref<128x128xf32, #tpu.memory_space<vmem_shared>>) target_semaphore(%run_scoped3A : memref<!tpu.dma_semaphore, #tpu.memory_space<semaphore_mem>>)
      %dma_wait3A = arith.constant 0 : i32
      %dma_wait3A_50 = arith.constant 0 : i32
      %dma_wait3A_51 = tpu.memref_slice %arg8[%dma_wait3A, %dma_wait3A_50] : memref<128x128xf32, #tpu.memory_space<vmem>> -> memref<128x128xf32, #tpu.memory_space<vmem>>
      %dma_wait3A_52 = arith.constant 0 : i32
      %dma_wait3A_53 = tpu.memref_slice %arg10[%add3A_10, %dma_wait3A_52] : memref<10112x128xf32, #tpu.memory_space<vmem_shared>> -> memref<128x128xf32, #tpu.memory_space<vmem_shared>>
      %dma_wait3A_54 = arith.constant 0 : i32
      %dma_wait3A_55 = tpu.memref_slice %arg10[%add3A_10, %dma_wait3A_54] : memref<10112x128xf32, #tpu.memory_space<vmem_shared>> -> memref<128x128xf32, #tpu.memory_space<vmem_shared>>
      %dma_wait3A_56 = arith.constant 0 : i32
      %dma_wait3A_57 = arith.constant 0 : i32
      %dma_wait3A_58 = tpu.memref_slice %arg8[%dma_wait3A_56, %dma_wait3A_57] : memref<128x128xf32, #tpu.memory_space<vmem>> -> memref<128x128xf32, #tpu.memory_space<vmem>>
      tpu.wait_dma2 semaphore(%run_scoped3A : memref<!tpu.dma_semaphore, #tpu.memory_space<semaphore_mem>>) src(%dma_wait3A_58 : memref<128x128xf32, #tpu.memory_space<vmem>>) dst(%dma_wait3A_55 : memref<128x128xf32, #tpu.memory_space<vmem_shared>>)
      tpu.yield
    }) : () -> ()
    %mul3A_11 = arith.constant 632 : i32
    %mul3A_12 = arith.muli %arg1, %mul3A_11 : i32
    %add3A_13 = arith.constant 128 : i32
    %add3A_14 = arith.addi %mul3A_12, %add3A_13 : i32
    "tpu.region"() ({
      %run_scoped3A = tpu.sem_alloc : memref<!tpu.dma_semaphore, #tpu.memory_space<semaphore_mem>>
      %dma_start3A = arith.constant 0 : i32
      %dma_start3A_41 = arith.constant 0 : i32
      %dma_start3A_42 = tpu.memref_slice %arg8[%dma_start3A, %dma_start3A_41] : memref<128x128xf32, #tpu.memory_space<vmem>> -> memref<128x128xf32, #tpu.memory_space<vmem>>
      %dma_start3A_43 = arith.constant 0 : i32
      %dma_start3A_44 = tpu.memref_slice %arg10[%add3A_14, %dma_start3A_43] : memref<10112x128xf32, #tpu.memory_space<vmem_shared>> -> memref<128x128xf32, #tpu.memory_space<vmem_shared>>
      %dma_start3A_45 = arith.constant 0 : i32
      %dma_start3A_46 = tpu.memref_slice %arg10[%add3A_14, %dma_start3A_45] : memref<10112x128xf32, #tpu.memory_space<vmem_shared>> -> memref<128x128xf32, #tpu.memory_space<vmem_shared>>
      %dma_start3A_47 = arith.constant 0 : i32
      %dma_start3A_48 = arith.constant 0 : i32
      %dma_start3A_49 = tpu.memref_slice %arg8[%dma_start3A_47, %dma_start3A_48] : memref<128x128xf32, #tpu.memory_space<vmem>> -> memref<128x128xf32, #tpu.memory_space<vmem>>
      tpu.enqueue_dma source(%dma_start3A_49 : memref<128x128xf32, #tpu.memory_space<vmem>>) target(%dma_start3A_46 : memref<128x128xf32, #tpu.memory_space<vmem_shared>>) target_semaphore(%run_scoped3A : memref<!tpu.dma_semaphore, #tpu.memory_space<semaphore_mem>>)
      %dma_wait3A = arith.constant 0 : i32
      %dma_wait3A_50 = arith.constant 0 : i32
      %dma_wait3A_51 = tpu.memref_slice %arg8[%dma_wait3A, %dma_wait3A_50] : memref<128x128xf32, #tpu.memory_space<vmem>> -> memref<128x128xf32, #tpu.memory_space<vmem>>
      %dma_wait3A_52 = arith.constant 0 : i32
      %dma_wait3A_53 = tpu.memref_slice %arg10[%add3A_14, %dma_wait3A_52] : memref<10112x128xf32, #tpu.memory_space<vmem_shared>> -> memref<128x128xf32, #tpu.memory_space<vmem_shared>>
      %dma_wait3A_54 = arith.constant 0 : i32
      %dma_wait3A_55 = tpu.memref_slice %arg10[%add3A_14, %dma_wait3A_54] : memref<10112x128xf32, #tpu.memory_space<vmem_shared>> -> memref<128x128xf32, #tpu.memory_space<vmem_shared>>
      %dma_wait3A_56 = arith.constant 0 : i32
      %dma_wait3A_57 = arith.constant 0 : i32
      %dma_wait3A_58 = tpu.memref_slice %arg8[%dma_wait3A_56, %dma_wait3A_57] : memref<128x128xf32, #tpu.memory_space<vmem>> -> memref<128x128xf32, #tpu.memory_space<vmem>>
      tpu.wait_dma2 semaphore(%run_scoped3A : memref<!tpu.dma_semaphore, #tpu.memory_space<semaphore_mem>>) src(%dma_wait3A_58 : memref<128x128xf32, #tpu.memory_space<vmem>>) dst(%dma_wait3A_55 : memref<128x128xf32, #tpu.memory_space<vmem_shared>>)
      tpu.yield
    }) : () -> ()
    %mul3A_15 = arith.constant 632 : i32
    %mul3A_16 = arith.muli %arg1, %mul3A_15 : i32
    %add3A_17 = arith.constant 256 : i32
    %add3A_18 = arith.addi %mul3A_16, %add3A_17 : i32
    "tpu.region"() ({
      %run_scoped3A = tpu.sem_alloc : memref<!tpu.dma_semaphore, #tpu.memory_space<semaphore_mem>>
      %dma_start3A = arith.constant 0 : i32
      %dma_start3A_41 = arith.constant 0 : i32
      %dma_start3A_42 = tpu.memref_slice %arg8[%dma_start3A, %dma_start3A_41] : memref<128x128xf32, #tpu.memory_space<vmem>> -> memref<128x128xf32, #tpu.memory_space<vmem>>
      %dma_start3A_43 = arith.constant 0 : i32
      %dma_start3A_44 = tpu.memref_slice %arg10[%add3A_18, %dma_start3A_43] : memref<10112x128xf32, #tpu.memory_space<vmem_shared>> -> memref<128x128xf32, #tpu.memory_space<vmem_shared>>
      %dma_start3A_45 = arith.constant 0 : i32
      %dma_start3A_46 = tpu.memref_slice %arg10[%add3A_18, %dma_start3A_45] : memref<10112x128xf32, #tpu.memory_space<vmem_shared>> -> memref<128x128xf32, #tpu.memory_space<vmem_shared>>
      %dma_start3A_47 = arith.constant 0 : i32
      %dma_start3A_48 = arith.constant 0 : i32
      %dma_start3A_49 = tpu.memref_slice %arg8[%dma_start3A_47, %dma_start3A_48] : memref<128x128xf32, #tpu.memory_space<vmem>> -> memref<128x128xf32, #tpu.memory_space<vmem>>
      tpu.enqueue_dma source(%dma_start3A_49 : memref<128x128xf32, #tpu.memory_space<vmem>>) target(%dma_start3A_46 : memref<128x128xf32, #tpu.memory_space<vmem_shared>>) target_semaphore(%run_scoped3A : memref<!tpu.dma_semaphore, #tpu.memory_space<semaphore_mem>>)
      %dma_wait3A = arith.constant 0 : i32
      %dma_wait3A_50 = arith.constant 0 : i32
      %dma_wait3A_51 = tpu.memref_slice %arg8[%dma_wait3A, %dma_wait3A_50] : memref<128x128xf32, #tpu.memory_space<vmem>> -> memref<128x128xf32, #tpu.memory_space<vmem>>
      %dma_wait3A_52 = arith.constant 0 : i32
      %dma_wait3A_53 = tpu.memref_slice %arg10[%add3A_18, %dma_wait3A_52] : memref<10112x128xf32, #tpu.memory_space<vmem_shared>> -> memref<128x128xf32, #tpu.memory_space<vmem_shared>>
      %dma_wait3A_54 = arith.constant 0 : i32
      %dma_wait3A_55 = tpu.memref_slice %arg10[%add3A_18, %dma_wait3A_54] : memref<10112x128xf32, #tpu.memory_space<vmem_shared>> -> memref<128x128xf32, #tpu.memory_space<vmem_shared>>
      %dma_wait3A_56 = arith.constant 0 : i32
      %dma_wait3A_57 = arith.constant 0 : i32
      %dma_wait3A_58 = tpu.memref_slice %arg8[%dma_wait3A_56, %dma_wait3A_57] : memref<128x128xf32, #tpu.memory_space<vmem>> -> memref<128x128xf32, #tpu.memory_space<vmem>>
      tpu.wait_dma2 semaphore(%run_scoped3A : memref<!tpu.dma_semaphore, #tpu.memory_space<semaphore_mem>>) src(%dma_wait3A_58 : memref<128x128xf32, #tpu.memory_space<vmem>>) dst(%dma_wait3A_55 : memref<128x128xf32, #tpu.memory_space<vmem_shared>>)
      tpu.yield
    }) : () -> ()
    %mul3A_19 = arith.constant 632 : i32
    %mul3A_20 = arith.muli %arg1, %mul3A_19 : i32
    %add3A_21 = arith.constant 384 : i32
    %add3A_22 = arith.addi %mul3A_20, %add3A_21 : i32
    "tpu.region"() ({
      %run_scoped3A = tpu.sem_alloc : memref<!tpu.dma_semaphore, #tpu.memory_space<semaphore_mem>>
      %dma_start3A = arith.constant 0 : i32
      %dma_start3A_41 = arith.constant 0 : i32
      %dma_start3A_42 = tpu.memref_slice %arg8[%dma_start3A, %dma_start3A_41] : memref<128x128xf32, #tpu.memory_space<vmem>> -> memref<128x128xf32, #tpu.memory_space<vmem>>
      %dma_start3A_43 = arith.constant 0 : i32
      %dma_start3A_44 = tpu.memref_slice %arg10[%add3A_22, %dma_start3A_43] : memref<10112x128xf32, #tpu.memory_space<vmem_shared>> -> memref<128x128xf32, #tpu.memory_space<vmem_shared>>
      %dma_start3A_45 = arith.constant 0 : i32
      %dma_start3A_46 = tpu.memref_slice %arg10[%add3A_22, %dma_start3A_45] : memref<10112x128xf32, #tpu.memory_space<vmem_shared>> -> memref<128x128xf32, #tpu.memory_space<vmem_shared>>
      %dma_start3A_47 = arith.constant 0 : i32
      %dma_start3A_48 = arith.constant 0 : i32
      %dma_start3A_49 = tpu.memref_slice %arg8[%dma_start3A_47, %dma_start3A_48] : memref<128x128xf32, #tpu.memory_space<vmem>> -> memref<128x128xf32, #tpu.memory_space<vmem>>
      tpu.enqueue_dma source(%dma_start3A_49 : memref<128x128xf32, #tpu.memory_space<vmem>>) target(%dma_start3A_46 : memref<128x128xf32, #tpu.memory_space<vmem_shared>>) target_semaphore(%run_scoped3A : memref<!tpu.dma_semaphore, #tpu.memory_space<semaphore_mem>>)
      %dma_wait3A = arith.constant 0 : i32
      %dma_wait3A_50 = arith.constant 0 : i32
      %dma_wait3A_51 = tpu.memref_slice %arg8[%dma_wait3A, %dma_wait3A_50] : memref<128x128xf32, #tpu.memory_space<vmem>> -> memref<128x128xf32, #tpu.memory_space<vmem>>
      %dma_wait3A_52 = arith.constant 0 : i32
      %dma_wait3A_53 = tpu.memref_slice %arg10[%add3A_22, %dma_wait3A_52] : memref<10112x128xf32, #tpu.memory_space<vmem_shared>> -> memref<128x128xf32, #tpu.memory_space<vmem_shared>>
      %dma_wait3A_54 = arith.constant 0 : i32
      %dma_wait3A_55 = tpu.memref_slice %arg10[%add3A_22, %dma_wait3A_54] : memref<10112x128xf32, #tpu.memory_space<vmem_shared>> -> memref<128x128xf32, #tpu.memory_space<vmem_shared>>
      %dma_wait3A_56 = arith.constant 0 : i32
      %dma_wait3A_57 = arith.constant 0 : i32
      %dma_wait3A_58 = tpu.memref_slice %arg8[%dma_wait3A_56, %dma_wait3A_57] : memref<128x128xf32, #tpu.memory_space<vmem>> -> memref<128x128xf32, #tpu.memory_space<vmem>>
      tpu.wait_dma2 semaphore(%run_scoped3A : memref<!tpu.dma_semaphore, #tpu.memory_space<semaphore_mem>>) src(%dma_wait3A_58 : memref<128x128xf32, #tpu.memory_space<vmem>>) dst(%dma_wait3A_55 : memref<128x128xf32, #tpu.memory_space<vmem_shared>>)
      tpu.yield
    }) : () -> ()
    %mul3A_23 = arith.constant 632 : i32
    %mul3A_24 = arith.muli %arg1, %mul3A_23 : i32
    %add3A_25 = arith.constant 512 : i32
    %add3A_26 = arith.addi %mul3A_24, %add3A_25 : i32
    "tpu.region"() ({
      %run_scoped3A = tpu.sem_alloc : memref<!tpu.dma_semaphore, #tpu.memory_space<semaphore_mem>>
      %dma_start3A = arith.constant 0 : i32
      %dma_start3A_41 = arith.constant 0 : i32
      %dma_start3A_42 = tpu.memref_slice %arg8[%dma_start3A, %dma_start3A_41] : memref<128x128xf32, #tpu.memory_space<vmem>> -> memref<120x128xf32, #tpu.memory_space<vmem>>
      %dma_start3A_43 = arith.constant 0 : i32
      %dma_start3A_44 = tpu.memref_slice %arg10[%add3A_26, %dma_start3A_43] : memref<10112x128xf32, #tpu.memory_space<vmem_shared>> -> memref<120x128xf32, #tpu.memory_space<vmem_shared>>
      %dma_start3A_45 = arith.constant 0 : i32
      %dma_start3A_46 = tpu.memref_slice %arg10[%add3A_26, %dma_start3A_45] : memref<10112x128xf32, #tpu.memory_space<vmem_shared>> -> memref<120x128xf32, #tpu.memory_space<vmem_shared>>
      %dma_start3A_47 = arith.constant 0 : i32
      %dma_start3A_48 = arith.constant 0 : i32
      %dma_start3A_49 = tpu.memref_slice %arg8[%dma_start3A_47, %dma_start3A_48] : memref<128x128xf32, #tpu.memory_space<vmem>> -> memref<120x128xf32, #tpu.memory_space<vmem>>
      tpu.enqueue_dma source(%dma_start3A_49 : memref<120x128xf32, #tpu.memory_space<vmem>>) target(%dma_start3A_46 : memref<120x128xf32, #tpu.memory_space<vmem_shared>>) target_semaphore(%run_scoped3A : memref<!tpu.dma_semaphore, #tpu.memory_space<semaphore_mem>>)
      %dma_wait3A = arith.constant 0 : i32
      %dma_wait3A_50 = arith.constant 0 : i32
      %dma_wait3A_51 = tpu.memref_slice %arg8[%dma_wait3A, %dma_wait3A_50] : memref<128x128xf32, #tpu.memory_space<vmem>> -> memref<120x128xf32, #tpu.memory_space<vmem>>
      %dma_wait3A_52 = arith.constant 0 : i32
      %dma_wait3A_53 = tpu.memref_slice %arg10[%add3A_26, %dma_wait3A_52] : memref<10112x128xf32, #tpu.memory_space<vmem_shared>> -> memref<120x128xf32, #tpu.memory_space<vmem_shared>>
      %dma_wait3A_54 = arith.constant 0 : i32
      %dma_wait3A_55 = tpu.memref_slice %arg10[%add3A_26, %dma_wait3A_54] : memref<10112x128xf32, #tpu.memory_space<vmem_shared>> -> memref<120x128xf32, #tpu.memory_space<vmem_shared>>
      %dma_wait3A_56 = arith.constant 0 : i32
      %dma_wait3A_57 = arith.constant 0 : i32
      %dma_wait3A_58 = tpu.memref_slice %arg8[%dma_wait3A_56, %dma_wait3A_57] : memref<128x128xf32, #tpu.memory_space<vmem>> -> memref<120x128xf32, #tpu.memory_space<vmem>>
      tpu.wait_dma2 semaphore(%run_scoped3A : memref<!tpu.dma_semaphore, #tpu.memory_space<semaphore_mem>>) src(%dma_wait3A_58 : memref<120x128xf32, #tpu.memory_space<vmem>>) dst(%dma_wait3A_55 : memref<120x128xf32, #tpu.memory_space<vmem_shared>>)
      tpu.yield
    }) : () -> ()
    %barrier3A = arith.constant 0 : index
    tpu.barrier barrier_id(%barrier3A)
    %mul3A_27 = arith.constant 80 : i32
    %mul3A_28 = arith.muli %add3A, %mul3A_27 : i32
    %scan3A_29 = arith.constant 0 : i32
    %scan3A_30 = arith.constant 0 : i32
    %scan3A_31 = arith.constant 2 : i32
    %scan3A_32 = arith.addi %scan3A_30, %scan3A_31 : i32
    %scan3A_33 = arith.constant 1 : i32
    %scan3A_34 = scf.for %scan3A_41 = %scan3A_30 to %scan3A_32 step %scan3A_33 iter_args(%scan3A_42 = %scan3A_29) -> (i32)  : i32 {
      %mul3A_43 = arith.constant 40 : i32
      %mul3A_44 = arith.muli %scan3A_41, %mul3A_43 : i32
      %add3A_45 = arith.addi %mul3A_28, %mul3A_44 : i32
      "tpu.region"() ({
        %run_scoped3A = tpu.sem_alloc : memref<!tpu.dma_semaphore, #tpu.memory_space<semaphore_mem>>
        %dma_start3A_60 = arith.constant 0 : i32
        %dma_start3A_61 = tpu.memref_slice %arg3[%add3A_45, %dma_start3A_60] : memref<2560x128xi32, #tpu.memory_space<hbm>> -> memref<40x128xi32, #tpu.memory_space<hbm>>
        %dma_start3A_62 = arith.constant 0 : i32
        %dma_start3A_63 = tpu.memref_slice %arg3[%add3A_45, %dma_start3A_62] : memref<2560x128xi32, #tpu.memory_space<hbm>> -> memref<40x128xi32, #tpu.memory_space<hbm>>
        tpu.enqueue_dma source(%dma_start3A_63 : memref<40x128xi32, #tpu.memory_space<hbm>>) target(%arg6 : memref<40x128xi32, #tpu.memory_space<vmem>>) target_semaphore(%run_scoped3A : memref<!tpu.dma_semaphore, #tpu.memory_space<semaphore_mem>>)
        %dma_wait3A = arith.constant 0 : i32
        %dma_wait3A_64 = tpu.memref_slice %arg3[%add3A_45, %dma_wait3A] : memref<2560x128xi32, #tpu.memory_space<hbm>> -> memref<40x128xi32, #tpu.memory_space<hbm>>
        %dma_wait3A_65 = arith.constant 0 : i32
        %dma_wait3A_66 = tpu.memref_slice %arg3[%add3A_45, %dma_wait3A_65] : memref<2560x128xi32, #tpu.memory_space<hbm>> -> memref<40x128xi32, #tpu.memory_space<hbm>>
        tpu.wait_dma2 semaphore(%run_scoped3A : memref<!tpu.dma_semaphore, #tpu.memory_space<semaphore_mem>>) src(%dma_wait3A_66 : memref<40x128xi32, #tpu.memory_space<hbm>>) dst(%arg6 : memref<40x128xi32, #tpu.memory_space<vmem>>)
        tpu.yield
      }) : () -> ()
      "tpu.region"() ({
        %run_scoped3A = tpu.sem_alloc : memref<!tpu.dma_semaphore, #tpu.memory_space<semaphore_mem>>
        %dma_start3A_60 = arith.constant 0 : i32
        %dma_start3A_61 = tpu.memref_slice %arg4[%add3A_45, %dma_start3A_60] : memref<2560x128xi32, #tpu.memory_space<hbm>> -> memref<40x128xi32, #tpu.memory_space<hbm>>
        %dma_start3A_62 = arith.constant 0 : i32
        %dma_start3A_63 = tpu.memref_slice %arg4[%add3A_45, %dma_start3A_62] : memref<2560x128xi32, #tpu.memory_space<hbm>> -> memref<40x128xi32, #tpu.memory_space<hbm>>
        tpu.enqueue_dma source(%dma_start3A_63 : memref<40x128xi32, #tpu.memory_space<hbm>>) target(%arg7 : memref<40x128xi32, #tpu.memory_space<vmem>>) target_semaphore(%run_scoped3A : memref<!tpu.dma_semaphore, #tpu.memory_space<semaphore_mem>>)
        %dma_wait3A = arith.constant 0 : i32
        %dma_wait3A_64 = tpu.memref_slice %arg4[%add3A_45, %dma_wait3A] : memref<2560x128xi32, #tpu.memory_space<hbm>> -> memref<40x128xi32, #tpu.memory_space<hbm>>
        %dma_wait3A_65 = arith.constant 0 : i32
        %dma_wait3A_66 = tpu.memref_slice %arg4[%add3A_45, %dma_wait3A_65] : memref<2560x128xi32, #tpu.memory_space<hbm>> -> memref<40x128xi32, #tpu.memory_space<hbm>>
        tpu.wait_dma2 semaphore(%run_scoped3A : memref<!tpu.dma_semaphore, #tpu.memory_space<semaphore_mem>>) src(%dma_wait3A_66 : memref<40x128xi32, #tpu.memory_space<hbm>>) dst(%arg7 : memref<40x128xi32, #tpu.memory_space<vmem>>)
        tpu.yield
      }) : () -> ()
      %dma_start3A = arith.constant 0 : i32
      %dma_start3A_46 = arith.constant 0 : i32
      %dma_start3A_47 = tpu.memref_slice %arg6[%dma_start3A, %dma_start3A_46] : memref<40x128xi32, #tpu.memory_space<vmem>> -> memref<1x128xi32, #tpu.memory_space<vmem>>
      %dma_start3A_48 = tpu.memref_squeeze %dma_start3A_47 : memref<1x128xi32, #tpu.memory_space<vmem>> -> memref<128xi32, #tpu.memory_space<vmem>>
      %dma_start3A_49 = arith.constant 0 : i32
      %dma_start3A_50 = arith.constant 0 : i32
      %dma_start3A_51 = tpu.memref_slice %arg2[%dma_start3A_49, %dma_start3A_50] : memref<10000x128xf32, #tpu.memory_space<hbm>> -> memref<10000x128xf32, #tpu.memory_space<hbm>>
      tpu.enqueue_indirect_dma source(%dma_start3A_51 : memref<10000x128xf32, #tpu.memory_space<hbm>>) target(%arg8 : memref<128x128xf32, #tpu.memory_space<vmem>>) offsets(%dma_start3A_48 : memref<128xi32, #tpu.memory_space<vmem>>) semaphore(%arg11 : memref<!tpu.dma_semaphore, #tpu.memory_space<semaphore_mem>>)
      %scan3A_52 = arith.constant 0 : i32
      %scan3A_53 = arith.constant 0 : i32
      %scan3A_54 = arith.constant 20 : i32
      %scan3A_55 = arith.addi %scan3A_53, %scan3A_54 : i32
      %scan3A_56 = arith.constant 1 : i32
      %scan3A_57 = scf.for %scan3A_60 = %scan3A_53 to %scan3A_55 step %scan3A_56 iter_args(%scan3A_61 = %scan3A_52) -> (i32)  : i32 {
        %mul3A_62 = arith.constant 2 : i32
        %mul3A_63 = arith.muli %mul3A_62, %scan3A_60 : i32
        %add3A_64 = arith.constant 1 : i32
        %add3A_65 = arith.addi %mul3A_63, %add3A_64 : i32
        %dma_start3A_66 = arith.constant 0 : i32
        %dma_start3A_67 = tpu.memref_slice %arg6[%add3A_65, %dma_start3A_66] : memref<40x128xi32, #tpu.memory_space<vmem>> -> memref<1x128xi32, #tpu.memory_space<vmem>>
        %dma_start3A_68 = tpu.memref_squeeze %dma_start3A_67 : memref<1x128xi32, #tpu.memory_space<vmem>> -> memref<128xi32, #tpu.memory_space<vmem>>
        %dma_start3A_69 = arith.constant 0 : i32
        %dma_start3A_70 = arith.constant 0 : i32
        %dma_start3A_71 = tpu.memref_slice %arg2[%dma_start3A_69, %dma_start3A_70] : memref<10000x128xf32, #tpu.memory_space<hbm>> -> memref<10000x128xf32, #tpu.memory_space<hbm>>
        tpu.enqueue_indirect_dma source(%dma_start3A_71 : memref<10000x128xf32, #tpu.memory_space<hbm>>) target(%arg9 : memref<128x128xf32, #tpu.memory_space<vmem>>) offsets(%dma_start3A_68 : memref<128xi32, #tpu.memory_space<vmem>>) semaphore(%arg12 : memref<!tpu.dma_semaphore, #tpu.memory_space<semaphore_mem>>)
        %dma_wait3A = arith.constant 0 : i32
        %dma_wait3A_72 = arith.constant 0 : i32
        %dma_wait3A_73 = tpu.memref_slice %arg2[%dma_wait3A, %dma_wait3A_72] : memref<10000x128xf32, #tpu.memory_space<hbm>> -> memref<128x128xf32, #tpu.memory_space<hbm>>
        %dma_wait3A_74 = arith.constant 0 : i32
        %dma_wait3A_75 = arith.constant 0 : i32
        %dma_wait3A_76 = tpu.memref_slice %arg2[%dma_wait3A_74, %dma_wait3A_75] : memref<10000x128xf32, #tpu.memory_space<hbm>> -> memref<128x128xf32, #tpu.memory_space<hbm>>
        tpu.wait_dma2 semaphore(%arg11 : memref<!tpu.dma_semaphore, #tpu.memory_space<semaphore_mem>>) src(%dma_wait3A_76 : memref<128x128xf32, #tpu.memory_space<hbm>>) dst(%arg8 : memref<128x128xf32, #tpu.memory_space<vmem>>)
        %mul3A_77 = arith.constant 2 : i32
        %mul3A_78 = arith.muli %mul3A_77, %scan3A_60 : i32
        "tpu.region"() ({
          %run_scoped3A = tpu.sem_alloc : memref<!tpu.dma_semaphore, #tpu.memory_space<semaphore_mem>>
          %dma_start3A_92 = arith.constant 0 : i32
          %dma_start3A_93 = tpu.memref_slice %arg7[%mul3A_78, %dma_start3A_92] : memref<40x128xi32, #tpu.memory_space<vmem>> -> memref<1x128xi32, #tpu.memory_space<vmem>>
          %dma_start3A_94 = tpu.memref_squeeze %dma_start3A_93 : memref<1x128xi32, #tpu.memory_space<vmem>> -> memref<128xi32, #tpu.memory_space<vmem>>
          %dma_start3A_95 = arith.constant 0 : i32
          %dma_start3A_96 = arith.constant 0 : i32
          %dma_start3A_97 = tpu.memref_slice %arg10[%dma_start3A_95, %dma_start3A_96] : memref<10112x128xf32, #tpu.memory_space<vmem_shared>> -> memref<10112x128xf32, #tpu.memory_space<vmem_shared>>
          tpu.enqueue_indirect_dma source(%arg8 : memref<128x128xf32, #tpu.memory_space<vmem>>) target(%dma_start3A_97 : memref<10112x128xf32, #tpu.memory_space<vmem_shared>>) offsets(%dma_start3A_94 : memref<128xi32, #tpu.memory_space<vmem>>) semaphore(%run_scoped3A : memref<!tpu.dma_semaphore, #tpu.memory_space<semaphore_mem>>) {add = true}
          %dma_wait3A_98 = arith.constant 0 : i32
          %dma_wait3A_99 = tpu.memref_slice %arg7[%mul3A_78, %dma_wait3A_98] : memref<40x128xi32, #tpu.memory_space<vmem>> -> memref<1x128xi32, #tpu.memory_space<vmem>>
          %dma_wait3A_100 = tpu.memref_squeeze %dma_wait3A_99 : memref<1x128xi32, #tpu.memory_space<vmem>> -> memref<128xi32, #tpu.memory_space<vmem>>
          %dma_wait3A_101 = arith.constant 0 : i32
          %dma_wait3A_102 = arith.constant 0 : i32
          %dma_wait3A_103 = tpu.memref_slice %arg10[%dma_wait3A_101, %dma_wait3A_102] : memref<10112x128xf32, #tpu.memory_space<vmem_shared>> -> memref<10112x128xf32, #tpu.memory_space<vmem_shared>>
          tpu.wait_indirect_dma semaphore(%run_scoped3A : memref<!tpu.dma_semaphore, #tpu.memory_space<semaphore_mem>>) src(%arg8 : memref<128x128xf32, #tpu.memory_space<vmem>>) dst(%dma_wait3A_103 : memref<10112x128xf32, #tpu.memory_space<vmem_shared>>)
          tpu.yield
        }) : () -> ()
        %lt3A = arith.constant 19 : i32
        %lt3A_79 = arith.cmpi slt, %scan3A_60, %lt3A : i32
        %convert_element_type3A = arith.extui %lt3A_79 : i1 to i32
        %cond3A = arith.constant 0 : i32
        %cond3A_80 = arith.cmpi ne, %convert_element_type3A, %cond3A : i32
        scf.if %cond3A_80 {
          %mul3A_92 = arith.constant 2 : i32
          %mul3A_93 = arith.muli %mul3A_92, %scan3A_60 : i32
          %add3A_94 = arith.constant 2 : i32
          %add3A_95 = arith.addi %mul3A_93, %add3A_94 : i32
          %dma_start3A_96 = arith.constant 0 : i32
          %dma_start3A_97 = tpu.memref_slice %arg6[%add3A_95, %dma_start3A_96] : memref<40x128xi32, #tpu.memory_space<vmem>> -> memref<1x128xi32, #tpu.memory_space<vmem>>
          %dma_start3A_98 = tpu.memref_squeeze %dma_start3A_97 : memref<1x128xi32, #tpu.memory_space<vmem>> -> memref<128xi32, #tpu.memory_space<vmem>>
          %dma_start3A_99 = arith.constant 0 : i32
          %dma_start3A_100 = arith.constant 0 : i32
          %dma_start3A_101 = tpu.memref_slice %arg2[%dma_start3A_99, %dma_start3A_100] : memref<10000x128xf32, #tpu.memory_space<hbm>> -> memref<10000x128xf32, #tpu.memory_space<hbm>>
          tpu.enqueue_indirect_dma source(%dma_start3A_101 : memref<10000x128xf32, #tpu.memory_space<hbm>>) target(%arg8 : memref<128x128xf32, #tpu.memory_space<vmem>>) offsets(%dma_start3A_98 : memref<128xi32, #tpu.memory_space<vmem>>) semaphore(%arg11 : memref<!tpu.dma_semaphore, #tpu.memory_space<semaphore_mem>>)
        } else {
        }
        %dma_wait3A_81 = arith.constant 0 : i32
        %dma_wait3A_82 = arith.constant 0 : i32
        %dma_wait3A_83 = tpu.memref_slice %arg2[%dma_wait3A_81, %dma_wait3A_82] : memref<10000x128xf32, #tpu.memory_space<hbm>> -> memref<128x128xf32, #tpu.memory_space<hbm>>
        %dma_wait3A_84 = arith.constant 0 : i32
        %dma_wait3A_85 = arith.constant 0 : i32
        %dma_wait3A_86 = tpu.memref_slice %arg2[%dma_wait3A_84, %dma_wait3A_85] : memref<10000x128xf32, #tpu.memory_space<hbm>> -> memref<128x128xf32, #tpu.memory_space<hbm>>
        tpu.wait_dma2 semaphore(%arg12 : memref<!tpu.dma_semaphore, #tpu.memory_space<semaphore_mem>>) src(%dma_wait3A_86 : memref<128x128xf32, #tpu.memory_space<hbm>>) dst(%arg9 : memref<128x128xf32, #tpu.memory_space<vmem>>)
        %mul3A_87 = arith.constant 2 : i32
        %mul3A_88 = arith.muli %mul3A_87, %scan3A_60 : i32
        %add3A_89 = arith.constant 1 : i32
        %add3A_90 = arith.addi %mul3A_88, %add3A_89 : i32
        "tpu.region"() ({
          %run_scoped3A = tpu.sem_alloc : memref<!tpu.dma_semaphore, #tpu.memory_space<semaphore_mem>>
          %dma_start3A_92 = arith.constant 0 : i32
          %dma_start3A_93 = tpu.memref_slice %arg7[%add3A_90, %dma_start3A_92] : memref<40x128xi32, #tpu.memory_space<vmem>> -> memref<1x128xi32, #tpu.memory_space<vmem>>
          %dma_start3A_94 = tpu.memref_squeeze %dma_start3A_93 : memref<1x128xi32, #tpu.memory_space<vmem>> -> memref<128xi32, #tpu.memory_space<vmem>>
          %dma_start3A_95 = arith.constant 0 : i32
          %dma_start3A_96 = arith.constant 0 : i32
          %dma_start3A_97 = tpu.memref_slice %arg10[%dma_start3A_95, %dma_start3A_96] : memref<10112x128xf32, #tpu.memory_space<vmem_shared>> -> memref<10112x128xf32, #tpu.memory_space<vmem_shared>>
          tpu.enqueue_indirect_dma source(%arg9 : memref<128x128xf32, #tpu.memory_space<vmem>>) target(%dma_start3A_97 : memref<10112x128xf32, #tpu.memory_space<vmem_shared>>) offsets(%dma_start3A_94 : memref<128xi32, #tpu.memory_space<vmem>>) semaphore(%run_scoped3A : memref<!tpu.dma_semaphore, #tpu.memory_space<semaphore_mem>>) {add = true}
          %dma_wait3A_98 = arith.constant 0 : i32
          %dma_wait3A_99 = tpu.memref_slice %arg7[%add3A_90, %dma_wait3A_98] : memref<40x128xi32, #tpu.memory_space<vmem>> -> memref<1x128xi32, #tpu.memory_space<vmem>>
          %dma_wait3A_100 = tpu.memref_squeeze %dma_wait3A_99 : memref<1x128xi32, #tpu.memory_space<vmem>> -> memref<128xi32, #tpu.memory_space<vmem>>
          %dma_wait3A_101 = arith.constant 0 : i32
          %dma_wait3A_102 = arith.constant 0 : i32
          %dma_wait3A_103 = tpu.memref_slice %arg10[%dma_wait3A_101, %dma_wait3A_102] : memref<10112x128xf32, #tpu.memory_space<vmem_shared>> -> memref<10112x128xf32, #tpu.memory_space<vmem_shared>>
          tpu.wait_indirect_dma semaphore(%run_scoped3A : memref<!tpu.dma_semaphore, #tpu.memory_space<semaphore_mem>>) src(%arg9 : memref<128x128xf32, #tpu.memory_space<vmem>>) dst(%dma_wait3A_103 : memref<10112x128xf32, #tpu.memory_space<vmem_shared>>)
          tpu.yield
        }) : () -> ()
        %scan3A_91 = arith.constant 0 : i32
        scf.yield %scan3A_91 : i32
      }
      %scan3A_58 = arith.constant 20 : i32
      %scan3A_59 = arith.constant 0 : i32
      scf.yield %scan3A_59 : i32
    }
    %scan3A_35 = arith.constant 2 : i32
    %barrier3A_36 = arith.constant 0 : index
    tpu.barrier barrier_id(%barrier3A_36)
    %mul3A_37 = arith.constant 632 : i32
    %mul3A_38 = arith.muli %arg1, %mul3A_37 : i32
    %mul3A_39 = arith.constant 632 : i32
    %mul3A_40 = arith.muli %arg1, %mul3A_39 : i32
    "tpu.region"() ({
      %run_scoped3A = tpu.sem_alloc : memref<!tpu.dma_semaphore, #tpu.memory_space<semaphore_mem>>
      %dma_start3A = arith.constant 0 : i32
      %dma_start3A_41 = tpu.memref_slice %arg5[%arg0, %mul3A_40, %dma_start3A] : memref<2x10112x128xf32, #tpu.memory_space<hbm>> -> memref<1x632x128xf32, #tpu.memory_space<hbm>>
      %dma_start3A_42 = tpu.memref_squeeze %dma_start3A_41 : memref<1x632x128xf32, #tpu.memory_space<hbm>> -> memref<632x128xf32, #tpu.memory_space<hbm>>
      %dma_start3A_43 = arith.constant 0 : i32
      %dma_start3A_44 = tpu.memref_slice %arg10[%mul3A_38, %dma_start3A_43] : memref<10112x128xf32, #tpu.memory_space<vmem_shared>> -> memref<632x128xf32, #tpu.memory_space<vmem_shared>>
      tpu.enqueue_dma source(%dma_start3A_44 : memref<632x128xf32, #tpu.memory_space<vmem_shared>>) target(%dma_start3A_42 : memref<632x128xf32, #tpu.memory_space<hbm>>) target_semaphore(%run_scoped3A : memref<!tpu.dma_semaphore, #tpu.memory_space<semaphore_mem>>)
      %dma_wait3A = arith.constant 0 : i32
      %dma_wait3A_45 = tpu.memref_slice %arg5[%arg0, %mul3A_40, %dma_wait3A] : memref<2x10112x128xf32, #tpu.memory_space<hbm>> -> memref<1x632x128xf32, #tpu.memory_space<hbm>>
      %dma_wait3A_46 = tpu.memref_squeeze %dma_wait3A_45 : memref<1x632x128xf32, #tpu.memory_space<hbm>> -> memref<632x128xf32, #tpu.memory_space<hbm>>
      %dma_wait3A_47 = arith.constant 0 : i32
      %dma_wait3A_48 = tpu.memref_slice %arg10[%mul3A_38, %dma_wait3A_47] : memref<10112x128xf32, #tpu.memory_space<vmem_shared>> -> memref<632x128xf32, #tpu.memory_space<vmem_shared>>
      tpu.wait_dma2 semaphore(%run_scoped3A : memref<!tpu.dma_semaphore, #tpu.memory_space<semaphore_mem>>) src(%dma_wait3A_48 : memref<632x128xf32, #tpu.memory_space<vmem_shared>>) dst(%dma_wait3A_46 : memref<632x128xf32, #tpu.memory_space<hbm>>)
      tpu.yield
    }) : () -> ()
    return
  }
}

module attributes {stable_mosaic.version = 14 : i64} {
  func.func @_mlp_body(%arg0: memref<1xf32, #tpu.memory_space<smem>>, %arg1: memref<10000x128xf32, #tpu.memory_space<vmem>>, %arg2: memref<2x10112x128xf32, #tpu.memory_space<vmem>>, %arg3: memref<128x128xf32, #tpu.memory_space<vmem>>, %arg4: memref<1x128xf32, #tpu.memory_space<vmem>>, %arg5: memref<1x128xf32, #tpu.memory_space<vmem>>, %arg6: memref<1x128xf32, #tpu.memory_space<vmem>>, %arg7: memref<128x128xf32, #tpu.memory_space<vmem>>, %arg8: memref<1x128xf32, #tpu.memory_space<vmem>>, %arg9: memref<10000x128xf32, #tpu.memory_space<vmem>>) attributes {dimension_semantics = [], scalar_prefetch = 0 : i64, scratch_operands = 0 : i64, tpu.core_type = #tpu.core_type<tc>} {
    %get3A = arith.constant 0 : index
    %get3A_0 = memref.load %arg0[%get3A] : memref<1xf32, #tpu.memory_space<smem>>
    %add3A = arith.constant 1.000000e+00 : f32
    %add3A_1 = arith.addf %add3A, %get3A_0 : f32
    %get3A_2 = arith.constant 0 : index
    %get3A_3 = arith.constant 0 : index
    %get3A_4 = vector.load %arg1[%get3A_2, %get3A_3] : memref<10000x128xf32, #tpu.memory_space<vmem>>, vector<10000x128xf32>
    %mul3A = vector.broadcast %add3A_1 : f32 to vector<10000x128xf32>
    %mul3A_5 = arith.mulf %mul3A, %get3A_4 : vector<10000x128xf32>
    %get3A_6 = arith.constant 0 : index
    %get3A_7 = arith.constant 0 : index
    %get3A_8 = arith.constant 0 : index
    %get3A_9 = vector.load %arg2[%get3A_6, %get3A_7, %get3A_8] : memref<2x10112x128xf32, #tpu.memory_space<vmem>>, vector<1x10000x128xf32>
    %get3A_10 = vector.shape_cast %get3A_9 : vector<1x10000x128xf32> to vector<10000x128xf32>
    %add3A_11 = arith.addf %mul3A_5, %get3A_10 : vector<10000x128xf32>
    %get3A_12 = arith.constant 1 : index
    %get3A_13 = arith.constant 0 : index
    %get3A_14 = arith.constant 0 : index
    %get3A_15 = vector.load %arg2[%get3A_12, %get3A_13, %get3A_14] : memref<2x10112x128xf32, #tpu.memory_space<vmem>>, vector<1x10000x128xf32>
    %get3A_16 = vector.shape_cast %get3A_15 : vector<1x10000x128xf32> to vector<10000x128xf32>
    %add3A_17 = arith.addf %add3A_11, %get3A_16 : vector<10000x128xf32>
    %get3A_18 = arith.constant 0 : index
    %get3A_19 = arith.constant 0 : index
    %get3A_20 = vector.load %arg3[%get3A_18, %get3A_19] : memref<128x128xf32, #tpu.memory_space<vmem>>, vector<128x128xf32>
    %dot_general3A = arith.constant dense<0.000000e+00> : vector<10000x128xf32>
    %dot_general3A_21 = tpu.matmul %add3A_17, %get3A_20, %dot_general3A {dimension_numbers = #tpu.dot_dimension_numbers<[1], [0], [0], [1], [0, 0, 1, 1], [], []>, transpose_lhs_hint = false} : vector<10000x128xf32>, vector<128x128xf32>, vector<10000x128xf32> -> vector<10000x128xf32>
    %get3A_22 = arith.constant 0 : index
    %get3A_23 = arith.constant 0 : index
    %get3A_24 = vector.load %arg4[%get3A_22, %get3A_23] : memref<1x128xf32, #tpu.memory_space<vmem>>, vector<1x128xf32>
    %add3A_25 = vector.broadcast %get3A_24 : vector<1x128xf32> to vector<10000x128xf32>
    %add3A_26 = arith.addf %dot_general3A_21, %add3A_25 : vector<10000x128xf32>
    %reduce_sum3A = arith.constant dense<0.000000e+00> : vector<128xf32>
    %reduce_sum3A_27 = vector.multi_reduction <add>, %add3A_26, %reduce_sum3A [0] : vector<10000x128xf32> to vector<128xf32>
    %broadcast_in_dim3A = vector.shape_cast %reduce_sum3A_27 : vector<128xf32> to vector<1x128xf32>
    %div3A = arith.constant 1.000000e+04 : f32
    %div3A_28 = vector.broadcast %div3A : f32 to vector<1x128xf32>
    %div3A_29 = arith.divf %broadcast_in_dim3A, %div3A_28 : vector<1x128xf32>
    %mul3A_30 = arith.mulf %add3A_26, %add3A_26 : vector<10000x128xf32>
    %reduce_sum3A_31 = arith.constant dense<0.000000e+00> : vector<128xf32>
    %reduce_sum3A_32 = vector.multi_reduction <add>, %mul3A_30, %reduce_sum3A_31 [0] : vector<10000x128xf32> to vector<128xf32>
    %broadcast_in_dim3A_33 = vector.shape_cast %reduce_sum3A_32 : vector<128xf32> to vector<1x128xf32>
    %div3A_34 = arith.constant 1.000000e+04 : f32
    %div3A_35 = vector.broadcast %div3A_34 : f32 to vector<1x128xf32>
    %div3A_36 = arith.divf %broadcast_in_dim3A_33, %div3A_35 : vector<1x128xf32>
    %mul3A_37 = arith.mulf %div3A_29, %div3A_29 : vector<1x128xf32>
    %sub3A = arith.subf %div3A_36, %mul3A_37 : vector<1x128xf32>
    %get3A_38 = arith.constant 0 : index
    %get3A_39 = arith.constant 0 : index
    %get3A_40 = vector.load %arg5[%get3A_38, %get3A_39] : memref<1x128xf32, #tpu.memory_space<vmem>>, vector<1x128xf32>
    %add3A_41 = arith.constant 9.99999974E-6 : f32
    %add3A_42 = vector.broadcast %add3A_41 : f32 to vector<1x128xf32>
    %add3A_43 = arith.addf %sub3A, %add3A_42 : vector<1x128xf32>
    %rsqrt3A = math.rsqrt %add3A_43 : vector<1x128xf32>
    %mul3A_44 = arith.mulf %get3A_40, %rsqrt3A : vector<1x128xf32>
    %mul3A_45 = vector.broadcast %mul3A_44 : vector<1x128xf32> to vector<10000x128xf32>
    %mul3A_46 = arith.mulf %add3A_26, %mul3A_45 : vector<10000x128xf32>
    %get3A_47 = arith.constant 0 : index
    %get3A_48 = arith.constant 0 : index
    %get3A_49 = vector.load %arg6[%get3A_47, %get3A_48] : memref<1x128xf32, #tpu.memory_space<vmem>>, vector<1x128xf32>
    %mul3A_50 = arith.mulf %div3A_29, %mul3A_44 : vector<1x128xf32>
    %sub3A_51 = arith.subf %get3A_49, %mul3A_50 : vector<1x128xf32>
    %add3A_52 = vector.broadcast %sub3A_51 : vector<1x128xf32> to vector<10000x128xf32>
    %add3A_53 = arith.addf %mul3A_46, %add3A_52 : vector<10000x128xf32>
    %max3A = arith.constant 0.000000e+00 : f32
    %max3A_54 = vector.broadcast %max3A : f32 to vector<10000x128xf32>
    %max3A_55 = arith.maximumf %add3A_53, %max3A_54 : vector<10000x128xf32>
    %get3A_56 = arith.constant 0 : index
    %get3A_57 = arith.constant 0 : index
    %get3A_58 = vector.load %arg7[%get3A_56, %get3A_57] : memref<128x128xf32, #tpu.memory_space<vmem>>, vector<128x128xf32>
    %dot_general3A_59 = arith.constant dense<0.000000e+00> : vector<10000x128xf32>
    %dot_general3A_60 = tpu.matmul %max3A_55, %get3A_58, %dot_general3A_59 {dimension_numbers = #tpu.dot_dimension_numbers<[1], [0], [0], [1], [0, 0, 1, 1], [], []>, transpose_lhs_hint = false} : vector<10000x128xf32>, vector<128x128xf32>, vector<10000x128xf32> -> vector<10000x128xf32>
    %get3A_61 = arith.constant 0 : index
    %get3A_62 = arith.constant 0 : index
    %get3A_63 = vector.load %arg8[%get3A_61, %get3A_62] : memref<1x128xf32, #tpu.memory_space<vmem>>, vector<1x128xf32>
    %add3A_64 = vector.broadcast %get3A_63 : vector<1x128xf32> to vector<10000x128xf32>
    %add3A_65 = arith.addf %dot_general3A_60, %add3A_64 : vector<10000x128xf32>
    %max3A_66 = arith.constant 0.000000e+00 : f32
    %max3A_67 = vector.broadcast %max3A_66 : f32 to vector<10000x128xf32>
    %max3A_68 = arith.maximumf %add3A_65, %max3A_67 : vector<10000x128xf32>
    %swap3A = arith.constant 0 : index
    %swap3A_69 = arith.constant 0 : index
    %swap3A_70 = vector.load %arg9[%swap3A, %swap3A_69] : memref<10000x128xf32, #tpu.memory_space<vmem>>, vector<10000x128xf32>
    tpu.vector_store %arg9[%swap3A, %swap3A_69], %max3A_68 {strides = array<i32>} : memref<10000x128xf32, #tpu.memory_space<vmem>>, vector<10000x128xf32>,
    return
  }
}

module attributes {stable_mosaic.version = 14 : i64} {
  func.func @_mlp_body(%arg0: memref<1xf32, #tpu.memory_space<smem>>, %arg1: memref<10000x128xf32, #tpu.memory_space<vmem>>, %arg2: memref<2x10112x128xf32, #tpu.memory_space<vmem>>, %arg3: memref<128x128xf32, #tpu.memory_space<vmem>>, %arg4: memref<1x128xf32, #tpu.memory_space<vmem>>, %arg5: memref<1x128xf32, #tpu.memory_space<vmem>>, %arg6: memref<1x128xf32, #tpu.memory_space<vmem>>, %arg7: memref<128x128xf32, #tpu.memory_space<vmem>>, %arg8: memref<1x128xf32, #tpu.memory_space<vmem>>, %arg9: memref<10000x128xf32, #tpu.memory_space<vmem>>) attributes {dimension_semantics = [], scalar_prefetch = 0 : i64, scratch_operands = 0 : i64, tpu.core_type = #tpu.core_type<tc>} {
    %get3A = arith.constant 0 : index
    %get3A_0 = memref.load %arg0[%get3A] : memref<1xf32, #tpu.memory_space<smem>>
    %add3A = arith.constant 1.000000e+00 : f32
    %add3A_1 = arith.addf %add3A, %get3A_0 : f32
    %get3A_2 = arith.constant 0 : index
    %get3A_3 = arith.constant 0 : index
    %get3A_4 = vector.load %arg1[%get3A_2, %get3A_3] : memref<10000x128xf32, #tpu.memory_space<vmem>>, vector<10000x128xf32>
    %mul3A = vector.broadcast %add3A_1 : f32 to vector<10000x128xf32>
    %mul3A_5 = arith.mulf %mul3A, %get3A_4 : vector<10000x128xf32>
    %get3A_6 = arith.constant 0 : index
    %get3A_7 = arith.constant 0 : index
    %get3A_8 = arith.constant 0 : index
    %get3A_9 = vector.load %arg2[%get3A_6, %get3A_7, %get3A_8] : memref<2x10112x128xf32, #tpu.memory_space<vmem>>, vector<1x10000x128xf32>
    %get3A_10 = vector.shape_cast %get3A_9 : vector<1x10000x128xf32> to vector<10000x128xf32>
    %add3A_11 = arith.addf %mul3A_5, %get3A_10 : vector<10000x128xf32>
    %get3A_12 = arith.constant 1 : index
    %get3A_13 = arith.constant 0 : index
    %get3A_14 = arith.constant 0 : index
    %get3A_15 = vector.load %arg2[%get3A_12, %get3A_13, %get3A_14] : memref<2x10112x128xf32, #tpu.memory_space<vmem>>, vector<1x10000x128xf32>
    %get3A_16 = vector.shape_cast %get3A_15 : vector<1x10000x128xf32> to vector<10000x128xf32>
    %add3A_17 = arith.addf %add3A_11, %get3A_16 : vector<10000x128xf32>
    %get3A_18 = arith.constant 0 : index
    %get3A_19 = arith.constant 0 : index
    %get3A_20 = vector.load %arg3[%get3A_18, %get3A_19] : memref<128x128xf32, #tpu.memory_space<vmem>>, vector<128x128xf32>
    %dot_general3A = arith.constant dense<0.000000e+00> : vector<10000x128xf32>
    %dot_general3A_21 = tpu.matmul %add3A_17, %get3A_20, %dot_general3A {dimension_numbers = #tpu.dot_dimension_numbers<[1], [0], [0], [1], [0, 0, 1, 1], [], []>, transpose_lhs_hint = false} : vector<10000x128xf32>, vector<128x128xf32>, vector<10000x128xf32> -> vector<10000x128xf32>
    %get3A_22 = arith.constant 0 : index
    %get3A_23 = arith.constant 0 : index
    %get3A_24 = vector.load %arg4[%get3A_22, %get3A_23] : memref<1x128xf32, #tpu.memory_space<vmem>>, vector<1x128xf32>
    %add3A_25 = vector.broadcast %get3A_24 : vector<1x128xf32> to vector<10000x128xf32>
    %add3A_26 = arith.addf %dot_general3A_21, %add3A_25 : vector<10000x128xf32>
    %reduce_sum3A = arith.constant dense<0.000000e+00> : vector<128xf32>
    %reduce_sum3A_27 = vector.multi_reduction <add>, %add3A_26, %reduce_sum3A [0] : vector<10000x128xf32> to vector<128xf32>
    %broadcast_in_dim3A = vector.shape_cast %reduce_sum3A_27 : vector<128xf32> to vector<1x128xf32>
    %div3A = arith.constant 1.000000e+04 : f32
    %div3A_28 = vector.broadcast %div3A : f32 to vector<1x128xf32>
    %div3A_29 = arith.divf %broadcast_in_dim3A, %div3A_28 : vector<1x128xf32>
    %mul3A_30 = arith.mulf %add3A_26, %add3A_26 : vector<10000x128xf32>
    %reduce_sum3A_31 = arith.constant dense<0.000000e+00> : vector<128xf32>
    %reduce_sum3A_32 = vector.multi_reduction <add>, %mul3A_30, %reduce_sum3A_31 [0] : vector<10000x128xf32> to vector<128xf32>
    %broadcast_in_dim3A_33 = vector.shape_cast %reduce_sum3A_32 : vector<128xf32> to vector<1x128xf32>
    %div3A_34 = arith.constant 1.000000e+04 : f32
    %div3A_35 = vector.broadcast %div3A_34 : f32 to vector<1x128xf32>
    %div3A_36 = arith.divf %broadcast_in_dim3A_33, %div3A_35 : vector<1x128xf32>
    %mul3A_37 = arith.mulf %div3A_29, %div3A_29 : vector<1x128xf32>
    %sub3A = arith.subf %div3A_36, %mul3A_37 : vector<1x128xf32>
    %get3A_38 = arith.constant 0 : index
    %get3A_39 = arith.constant 0 : index
    %get3A_40 = vector.load %arg5[%get3A_38, %get3A_39] : memref<1x128xf32, #tpu.memory_space<vmem>>, vector<1x128xf32>
    %add3A_41 = arith.constant 9.99999974E-6 : f32
    %add3A_42 = vector.broadcast %add3A_41 : f32 to vector<1x128xf32>
    %add3A_43 = arith.addf %sub3A, %add3A_42 : vector<1x128xf32>
    %rsqrt3A = math.rsqrt %add3A_43 : vector<1x128xf32>
    %mul3A_44 = arith.mulf %get3A_40, %rsqrt3A : vector<1x128xf32>
    %mul3A_45 = vector.broadcast %mul3A_44 : vector<1x128xf32> to vector<10000x128xf32>
    %mul3A_46 = arith.mulf %add3A_26, %mul3A_45 : vector<10000x128xf32>
    %get3A_47 = arith.constant 0 : index
    %get3A_48 = arith.constant 0 : index
    %get3A_49 = vector.load %arg6[%get3A_47, %get3A_48] : memref<1x128xf32, #tpu.memory_space<vmem>>, vector<1x128xf32>
    %mul3A_50 = arith.mulf %div3A_29, %mul3A_44 : vector<1x128xf32>
    %sub3A_51 = arith.subf %get3A_49, %mul3A_50 : vector<1x128xf32>
    %add3A_52 = vector.broadcast %sub3A_51 : vector<1x128xf32> to vector<10000x128xf32>
    %add3A_53 = arith.addf %mul3A_46, %add3A_52 : vector<10000x128xf32>
    %max3A = arith.constant 0.000000e+00 : f32
    %max3A_54 = vector.broadcast %max3A : f32 to vector<10000x128xf32>
    %max3A_55 = arith.maximumf %add3A_53, %max3A_54 : vector<10000x128xf32>
    %get3A_56 = arith.constant 0 : index
    %get3A_57 = arith.constant 0 : index
    %get3A_58 = vector.load %arg7[%get3A_56, %get3A_57] : memref<128x128xf32, #tpu.memory_space<vmem>>, vector<128x128xf32>
    %dot_general3A_59 = arith.constant dense<0.000000e+00> : vector<10000x128xf32>
    %dot_general3A_60 = tpu.matmul %max3A_55, %get3A_58, %dot_general3A_59 {dimension_numbers = #tpu.dot_dimension_numbers<[1], [0], [0], [1], [0, 0, 1, 1], [], []>, transpose_lhs_hint = false} : vector<10000x128xf32>, vector<128x128xf32>, vector<10000x128xf32> -> vector<10000x128xf32>
    %get3A_61 = arith.constant 0 : index
    %get3A_62 = arith.constant 0 : index
    %get3A_63 = vector.load %arg8[%get3A_61, %get3A_62] : memref<1x128xf32, #tpu.memory_space<vmem>>, vector<1x128xf32>
    %add3A_64 = vector.broadcast %get3A_63 : vector<1x128xf32> to vector<10000x128xf32>
    %add3A_65 = arith.addf %dot_general3A_60, %add3A_64 : vector<10000x128xf32>
    %swap3A = arith.constant 0 : index
    %swap3A_66 = arith.constant 0 : index
    %swap3A_67 = vector.load %arg9[%swap3A, %swap3A_66] : memref<10000x128xf32, #tpu.memory_space<vmem>>, vector<10000x128xf32>
    tpu.vector_store %arg9[%swap3A, %swap3A_66], %add3A_65 {strides = array<i32>} : memref<10000x128xf32, #tpu.memory_space<vmem>>, vector<10000x128xf32>,
    return
  }
}

</mosaic_0001>

<sc_bundles>
// kernel: kernel.6.cloned.1.call-start
scs
__scs_entry_jumppad:
0x0: {  	(pc) =	sbr.rel $0x88, $3  }
0x1: {  	(tag) =	ssettag $0x0;
	lr =	simm.s32 $0x1  }
0x2: {  	[smem:$0x3F91] =	sst lr;
	_ =	strace $0xD0000000  }
0x3: {  	_ = 	snop  }
0x4: {  	_ = 	snop  }
0x5: {  	_ = 	snop  }
0x6: {  	_ = 	snop  }
0x7: {  	_ = 	snop  }
__scs_overlays_trampoline_lowered:
0x8: {  	[smem:$0x3FA0] =	sst s0  }
0x9: {  	[smem:$0x3FA1] =	sst s1  }
0xa: {  	[smem:$0x3FA2] =	sst s2  }
0xb: {  	[smem:$0x3FA3] =	sst s3  }
0xc: {  	[smem:$0x3FA4] =	sst s4  }
0xd: {  	[smem:$0x3FA5] =	sst s5  }
0xe: {  	[smem:$0x3FA6] =	sst s6  }
0xf: {  	[smem:$0x3FA7] =	sst s7  }
0x10: {  	[smem:$0x3FA8] =	sst s8  }
0x11: {  	[smem:$0x3FA9] =	sst s9;
	s0 =	simm.s32 @!p0 $0x0  }
0x12: {  	s1 =	sld [smem:$0x3F8F];
	s0 =	simm.s32 @p0 $0x1  }
0x13: {  	[smem:$0x3FAA] =	sst s0;
	s0 =	simm.s32 @!p1 $0x0  }
0x14: {  	s2 =	sld [smem:$0x3F8E];
	s0 =	simm.s32 @p1 $0x1  }
0x15: {  	[smem:$0x3FAB] =	sst s0;
	s0 =	simm.s32 @!p2 $0x0  }
0x16: {  	s3 =	sld [smem:$0x3FDB];
	s0 =	simm.s32 @p2 $0x1  }
0x17: {  	s4 =	simm.s32 $0x1BF5;
	[smem:$0x3FAD] =	sst s0  }
0x18: {  	s0 =	sld [smem:$0x3F90];
	_ =	swait.ge [sflag:s4], $0x0  }
0x19: {  	s7 =	sld [smem:$0x3F91]  }
0x1a: {  	s8 =	sadd.s32 $0xFFFFE003, lr  }
0x1b: {  	s9 =	sadd.s32 $0xFFFFFEF7, lr;
	s5 =	simm.s32 $0xFFFFFFFF;
	p2 =	slt.u32 s8, $0xFFFFF086  }
0x1c: {  	p1 =	slt.u32 s9, $0xF7A;
	s5 =	simm.s32 @!p2 $0x0  }
0x1d: {  	s5 =	simm.s32 @p1 $0x1;
	p0 =	seq.s32 s7, s2  }
0x1e: {  	s7 =	smul.u32 @!p0 $0xF7A, s2;
	p2 =	seq.s32 @!p0 s5, $0x0  }
0x1f: {  	s9 =	smul.u32 $0xF7A, s1;
	s8 =	simm.s32 @!p0 $0x1BF5;
	p2 =	por !p2, p0  }
0x20: {  	[sflag:s8] =	ssyncset.s32 @!p0 $0xFFFFF086;
	s6 =	sadd.s32 @!p0 s3, s7;
	s7 =	simm.s32 @!p0 $0x108  }
0x21: {  	s3 =	sadd.s32 s3, s9;
	s6 =	sadd.s32 @!p0 $0x88, s6;
	s7 =	simm.s32 @p2 $0x1082  }
0x22: {  	[simem:s7], [sflag:s8] =	dma.local @!p0 [hbm:s6], $0xF7A  }
0x23: {  	s9 =	sor.u32 $0xD0000000, s2;
	s6 =	simm.s32 $0x108;
	_ =	swait.ge @!p0 [sflag:s8], $0x0  }
0x24: {  	s3 =	sadd.s32 $0x88, s3;
	s6 =	simm.s32 @!p1 $0x1082;
	[sflag:s4] =	ssyncset.s32 $0xFFFFF086  }
0x25: {  	[simem:s6], [sflag:s4] =	dma.local [hbm:s3], $0xF7A  }
0x26: {  	[smem:$0x3F91] =	sst s1;
	(tag) =	ssettag s2;
	_ =	strace s9  }
0x27: {  	s1 =	sld [smem:$0x3FA1]  }
0x28: {  	s2 =	sld [smem:$0x3FA2]  }
0x29: {  	s4 =	sld [smem:$0x3FA4]  }
0x2a: {  	p0 =	seq.s32 s5, $0x0;
	s5 =	sld [smem:$0x3FA5]  }
0x2b: {  	s6 =	sld [smem:$0x3FA6]  }
0x2c: {  	s7 =	sld [smem:$0x3FA7]  }
0x2d: {  	s3 =	simm.s32 $0x108;
	s8 =	sld [smem:$0x3FA8]  }
0x2e: {  	s3 =	simm.s32 @!p0 $0x1082;
	s9 =	sld [smem:$0x3FA9]  }
0x2f: {  	lr =	sadd.s32 s0, s3;
	s0 =	sld [smem:$0x3FA0]  }
0x30: {  	s3 =	sld [smem:$0x3FA3]  }
0x31: {  	[smem:$0x3FAC] =	sst s10  }
0x32: {  	s10 =	sld [smem:$0x3FAA];
	_ =	sdelay $0x3  }
0x33: {  	p0 =	seq.s32 s10, $0x1;
	s10 =	sld [smem:$0x3FAC];
	_ =	sdelay $0x3  }
0x34: {  	[smem:$0x3FAC] =	sst s10  }
0x35: {  	s10 =	sld [smem:$0x3FAB];
	_ =	sdelay $0x3  }
0x36: {  	p1 =	seq.s32 s10, $0x1;
	s10 =	sld [smem:$0x3FAC];
	_ =	sdelay $0x3  }
0x37: {  	[smem:$0x3FAC] =	sst s10  }
0x38: {  	s10 =	sld [smem:$0x3FAD]  }
0x39: {  	_ = 	snop;
	(pc) =	sbr.ind lr, $3  }
0x3a: {  	_ = 	snop  }
0x3b: {  	_ = 	snop  }
0x3c: {  	p2 =	seq.s32 s10, $0x1;
	s10 =	sld [smem:$0x3FAC]  }
0x3d: {  	_ =	shalt  }
0x3e: {  	_ =	shalt  }
0x3f: {  	_ =	shalt  }
0x40: {  	_ =	shalt  }
0x41: {  	_ =	shalt  }
0x42: {  	_ =	shalt  }
0x43: {  	_ =	shalt  }
0x44: {  	_ =	shalt  }
0x45: {  	_ =	shalt  }
0x46: {  	_ =	shalt  }
0x47: {  	_ =	shalt  }
0x48: {  	_ =	shalt  }
0x49: {  	_ =	shalt  }
0x4a: {  	_ =	shalt  }
0x4b: {  	_ =	shalt  }
0x4c: {  	_ =	shalt  }
0x4d: {  	_ =	shalt  }
0x4e: {  	_ =	shalt  }
0x4f: {  	_ =	shalt  }
0x50: {  	_ =	shalt  }
0x51: {  	_ =	shalt  }
0x52: {  	_ =	shalt  }
0x53: {  	_ =	shalt  }
0x54: {  	_ =	shalt  }
0x55: {  	_ =	shalt  }
0x56: {  	_ =	shalt  }
0x57: {  	_ =	shalt  }
0x58: {  	_ =	shalt  }
0x59: {  	_ =	shalt  }
0x5a: {  	_ =	shalt  }
0x5b: {  	_ =	shalt  }
0x5c: {  	_ =	shalt  }
0x5d: {  	_ =	shalt  }
0x5e: {  	_ =	shalt  }
0x5f: {  	_ =	shalt  }
0x60: {  	_ =	shalt  }
0x61: {  	_ =	shalt  }
0x62: {  	_ =	shalt  }
0x63: {  	_ =	shalt  }
0x64: {  	_ =	shalt  }
0x65: {  	_ =	shalt  }
0x66: {  	_ =	shalt  }
0x67: {  	_ =	shalt  }
0x68: {  	_ =	shalt  }
0x69: {  	_ =	shalt  }
0x6a: {  	_ =	shalt  }
0x6b: {  	_ =	shalt  }
0x6c: {  	_ =	shalt  }
0x6d: {  	_ =	shalt  }
0x6e: {  	_ =	shalt  }
0x6f: {  	_ =	shalt  }
0x70: {  	_ =	shalt  }
0x71: {  	_ =	shalt  }
0x72: {  	_ =	shalt  }
0x73: {  	_ =	shalt  }
0x74: {  	_ =	shalt  }
0x75: {  	_ =	shalt  }
0x76: {  	_ =	shalt  }
0x77: {  	_ =	shalt  }
0x78: {  	_ =	shalt  }
0x79: {  	_ =	shalt  }
0x7a: {  	_ =	shalt  }
0x7b: {  	_ =	shalt  }
0x7c: {  	_ =	shalt  }
0x7d: {  	_ =	shalt  }
0x7e: {  	_ =	shalt  }
0x7f: {  	_ =	shalt  }
0x80: {  	_ =	shalt  }
0x81: {  	_ =	shalt  }
0x82: {  	_ =	shalt  }
0x83: {  	_ =	shalt  }
0x84: {  	_ =	shalt  }
0x85: {  	_ =	shalt  }
0x86: {  	_ =	shalt  }
0x87: {  	_ =	shalt  }
.Lfunc_end0:
.L_simem_size_0:
called_computation_lowered:
.L_overlay_start_0:
0x88: {  	s2 =	sld [smem:$0x3FD9]  }
0x89: {  	s3 =	sld [smem:$0x3FFE];
	_ =	sdelay $0x1  }
0x8a: {  	s1 =	srdreg.scid  }
0x8b: {  	s0 =	sand.u32 $0x1, s1  }
0x8c: {  	s17 =	sshll.u32 s0, $0xA;
	s2 =	sadd.s32 s3, s2  }
0x8d: {  	s2 =	sadd.s32 s2, s17  }
0x8e: {  	[smem:$0x3FB8] =	sst s2  }
0x8f: {  	_ = 	snop  }
0x90: {  	s2 =	sld [smem:$0x3FC9];
	(tm) =	ssettm $0x1  }
0x91: {  	s18 =	sld [smem:$0x3FFB];
	_ =	sdelay $0x3  }
0x92: {  	_ =	strace s18  }
0x93: {  	s3 =	sld [smem:$0x3FFC];
	_ =	sdelay $0x3  }
0x94: {  	_ =	strace s3  }
0x95: {  	s3 =	sld [smem:$0x3FFD];
	_ =	sdelay $0x3  }
0x96: {  	_ =	strace s3  }
0x97: {  	_ =	strace $0x8FFFFFFF  }
0x98: {  	s19 =	sld [smem:$0x3FDB];
	_ =	sdelay $0x1  }
0x99: {  	s4 =	simm.s32 $_scs_section_size  }
0x9a: {  	s5 =	simm.s32 $_size__tile_overlayer_lowered;
	s6 =	simm.s32 $_tile_overlayer_lowered  }
0x9b: {  	s22 =	simm.s32 $0x1BFF;
	s21 =	sshll.u32 s6, $0x1;
	s3 =	sadd.s32 s4, s19  }
0x9c: {  	s7 =	simm.s32 $0x0;
	s20 =	sshll.u32 s5, $0x1;
	s5 =	sadd.s32 s21, s3  }
0x9d: {  	[timem:s7], [sflag:s22] =	dma.local [hbm:s5], s20  }
0x9e: {  	_ =	swait.ge [sflag:s22], s20  }
0x9f: {  	s4 =	ssub.s32 $0x0, s20;
	[sflag:s22] =	ssyncset.done $0x0  }
0xa0: {  	[sflag:s22] =	ssyncadd.s32 s4;
	_ =	sdelay $0x1  }
0xa1: {  	s23 =	simm.s32 $0x1B8B  }
0xa2: {  	_ =	swait.ge [sflag:s23], $0x1  }
0xa3: {  	[sflag:s23] =	ssyncset.done $0x0  }
0xa4: {  	s25 =	simm.s32 $0x1B8E;
	s24 =	sld [smem:$0x3FFE];
	[sflag:s23] =	ssyncadd.s32 $0xFFFFFFFF  }
0xa5: {  	s26 =	simm.s32 $execute0_lowered;
	[smem:$0x3FD2] =	sst s25  }
0xa6: {  	s5 =	sshll.u32 s26, $0x1;
	_ =	strace $0x80000046;
	[dreg:$0x1] =	wrdreg $0xFFFFFFFF  }
0xa7: {  	s28 =	simm.s32 $_size_execute0_lowered;
	s3 =	sadd.s32 s3, s5;
	[dreg:$0x0] =	wrdreg $0x0  }
0xa8: {  	s5 =	sshll.u32 s28, $0x1;
	[dreg:$0x2] =	wrdreg s3  }
0xa9: {  	[dreg:$0x3] =	wrdreg s5  }
0xaa: {  	[dreg:$0x4] =	wrdreg $0xC0  }
0xab: {  	_ =	task [dreg:s7], $0x5FFFF  }
0xac: {  	[dreg:$0x1] =	wrdreg $0xFFFFFFFF  }
0xad: {  	[dreg:$0x0] =	wrdreg $0x60  }
0xae: {  	[dreg:$0x2] =	wrdreg s2  }
0xaf: {  	[dreg:$0x3] =	wrdreg s24  }
0xb0: {  	[dreg:$0x4] =	wrdreg $0xA8000  }
0xb1: {  	[dreg:$0x5] =	wrdreg $0x9  }
0xb2: {  	_ =	task.clear_ibuf [dreg:s7], $0x6FFFF;
	_ =	strace $0x90000046  }
0xb3: {  	s29 =	simm.s32 $0x9;
	_ =	strace $0x80000048  }
0xb4: {  	_ =	swait.ge [sflag:s29], $0x1  }
0xb5: {  	[sflag:s29] =	ssyncadd.s32 $0xFFFFFFFF  }
0xb6: {  	_ =	strace $0x90000048  }
0xb7: {  	_ =	sfence  }
0xb8: {  	s30 =	sld [smem:$0x0];
	_ =	sdelay $0x2  }
0xb9: {  	s31 =	sshll.u32 s1, $0xD;
	s1 =	sshrl.u32 s1, $0x2  }
0xba: {  	s3 =	sand.u32 $0x4000, s31;
	s1 =	sadd.s32 s1, s30  }
0xbb: {  	s0 =	sor.u32 s3, s0;
	s1 =	sshll.u32 s1, $0x11  }
0xbc: {  	s0 =	sor.u32 s1, s0  }
0xbd: {  	s0 =	sadd.s32 $0x8F2B, s0  }
0xbe: {  	[sflag:s0] =	ssyncadd.remote.s32 $0x1  }
0xbf: {  	_ =	sfence.sel $0xFFFF  }
0xc0: {  	[dreg:$0x0] =	wrdreg $0xFFFFFFFF;
	(pc) =	sbr.abs _section_cstart, $3  }
0xc1: {  	[dreg:$0x1] =	wrdreg $0xFFFFFFFF  }
0xc2: {  	_ =	task.clear_ibuf [dreg:s7], $0x2FFFF;
	_ =	strace $0x9FFFFFFF  }
0xc3: {  	(tm) =	ssettm $0x7FFFFFFF  }
tec
execute0_lowered:
.L_overlay_start_1:
0x0: {  	(tag) =	ssettag $0x1  }
0x1: {  	s0 =	rddreg [dreg:$0x0]  }
0x2: {  	s5 =	rddreg [dreg:$0x1];
	s1 =	srdreg.scid  }
0x3: {  	s3 =	rddreg [dreg:$0x2];
	s2 =	stileid.u32  }
0x4: {  	s4 =	simm.s32 $0x0;
	s17 =	simm.s32 $0x3;
	s18 =	simm.s32 $0x1400  }
0x5: {  	s19 =	simm.s32 $0x80;
	s20 =	simm.s32 $0x6800;
	s21 =	simm.s32 $0x1  }
0x6: {  	s22 =	simm.s32 $0x2;
	s23 =	simm.s32 $0x1380;
	s24 =	simm.s32 $0x2700  }
0x7: {  	s6 =	sand.u32 $0x1, s1;
	s1 =	rddreg [dreg:$0x3];
	s8 =	smul.u32 $0x13C00, s2  }
0x8: {  	s25 =	simm.s32 $0x2780;
	[smem:$0x7FF] =	sst s4;
	s28 =	smul.u32 $0x4F000, s2  }
0x9: {  	s14 =	sadd.s32 $0x2C00, s5;
	s15 =	sadd.s32 $0xCC00, s5;
	s7 =	smul.u32 $0x13C000, s6  }
0xa: {  	_ =	strace $0x80000047;
	s29 =	ssub.s32 $0x2, s6;
	s6 =	sshll.u32 s6, $0x4  }
0xb: {  	s31 =	sshrl.u32 s29, $0x1;
	s9 =	sor.u32 s2, s6;
	s7 =	sadd.s32 s8, s7  }
0xc: {  	s11 =	ssub.s32 s29, s31;
	s16 =	smul.u32 $0x500, s9;
	s7 =	sshrl.u32 s7, $0x3  }
0xd: {  	s30 =	sshrl.u32 s28, $0x2;
	s11 =	smax.u32 s11, $0x1;
	s10 =	sadd.s32 s7, s5  }
0xe: {  	s5 =	sadd.s32 s30, s3;
	s12 =	sadd.s32 s14, s16;
	s13 =	sadd.s32 s15, s16  }
0xf: {  	s16 =	sadd.s32 $0x280, s16;
	s6 =	sadd.s32 $0x4000, s5;
	s7 =	sadd.s32 $0x8000, s5  }
0x10: {  	s8 =	sadd.s32 $0xC000, s5;
	s9 =	sadd.s32 $0x10000, s5;
	s10 =	sadd.s32 $0x16C00, s10  }
0x11: {  	v0 =	vimm.f32 $0.0e+00;
	s14 =	sadd.s32 s14, s16;
	s15 =	sadd.s32 s15, s16;
	s16 =	simm.s32 $0x2800  }
.LBB2_1:
0x12: {  	s26 =	simm.s32 $0x0;
	s28 =	simm.s32 $0x200  }
.LBB2_2:
0x13: {  	p0 =	sne.s32 s28, $0xFE00;
	[tilespmem:s26+$0x2870] =	vst v0  }
0x14: {  	[tilespmem:s26+$0x2800] =	vst v0  }
0x15: {  	[tilespmem:s26+$0x2810] =	vst v0  }
.Ltmp0:
0x16: {  	[tilespmem:s26+$0x2820] =	vst v0;
	(pc) =	sbr.rel @p0 .LBB2_2-.Ltmp0, $4  }
0x17: {  	[tilespmem:s26+$0x2830] =	vst v0  }
0x18: {  	[tilespmem:s26+$0x2840] =	vst v0  }
0x19: {  	[tilespmem:s26+$0x2850] =	vst v0  }
0x1a: {  	[tilespmem:s26+$0x2860] =	vst v0;
	s26 =	sshra.s32 s28, $0x2;
	s28 =	sadd.s32 $0x200, s28  }
0x1b: {  	[tilespmem:s26+$0x2870] =	vst v0  }
0x1c: {  	[tilespmem:s26+$0x2800] =	vst v0  }
0x1d: {  	[tilespmem:s26+$0x2810] =	vst v0  }
0x1e: {  	[tilespmem:s26+$0x2820] =	vst v0  }
0x1f: {  	[tilespmem:s26+$0x2830] =	vst v0  }
0x20: {  	[tilespmem:s26+$0x2840] =	vst v0  }
0x21: {  	[tilespmem:s26+$0x2850] =	vst v0  }
0x22: {  	[tilespmem:s26+$0x2860] =	vst v0  }
0x23: {  	[spmem:s5] =	stream.linear.scatter [tilespmem:s16], [sflag:$0x3], $0x4000, $0x38;
	[tilespmem:$0x1E400] =	vst v63  }
0x24: {  	_ =	swait.ge [sflag:s17], $0x4000  }
0x25: {  	[sflag:s17] =	ssyncset.done $0x0  }
0x26: {  	[sflag:s17] =	ssyncadd.s32 $0xFFFFC000  }
0x27: {  	[spmem:s6] =	stream.linear.scatter [tilespmem:s16], [sflag:$0x3], $0x4000, $0x38;
	[tilespmem:$0x1E400] =	vst v63  }
0x28: {  	_ =	swait.ge [sflag:s17], $0x4000  }
0x29: {  	[sflag:s17] =	ssyncset.done $0x0  }
0x2a: {  	[sflag:s17] =	ssyncadd.s32 $0xFFFFC000  }
0x2b: {  	[spmem:s7] =	stream.linear.scatter [tilespmem:s16], [sflag:$0x3], $0x4000, $0x38;
	[tilespmem:$0x1E400] =	vst v63  }
0x2c: {  	_ =	swait.ge [sflag:s17], $0x4000  }
0x2d: {  	[sflag:s17] =	ssyncset.done $0x0  }
0x2e: {  	[sflag:s17] =	ssyncadd.s32 $0xFFFFC000  }
0x2f: {  	[spmem:s8] =	stream.linear.scatter [tilespmem:s16], [sflag:$0x3], $0x4000, $0x38;
	[tilespmem:$0x1E400] =	vst v63  }
0x30: {  	_ =	swait.ge [sflag:s17], $0x4000  }
0x31: {  	[sflag:s17] =	ssyncset.done $0x0  }
0x32: {  	[sflag:s17] =	ssyncadd.s32 $0xFFFFC000  }
0x33: {  	[spmem:s9] =	stream.linear.scatter [tilespmem:s16], [sflag:$0x3], $0x3C00, $0x38;
	[tilespmem:$0x1E400] =	vst v63  }
0x34: {  	_ =	swait.ge [sflag:s17], $0x3C00  }
0x35: {  	[sflag:s17] =	ssyncset.done $0x0  }
0x36: {  	[sflag:s17] =	ssyncadd.s32 $0xFFFFC400  }
0x37: {  	s30 =	simm.s32 $0x0;
	[bflag:$0x0] =	sbarrier.arrive $0xFFFF  }
0x38: {  	[tilespmem:s30], [sflag:$0x3] =	stream.linear.gather [hbm4b:s12+s30], $0x1400, $0x38;
	[tilespmem:$0x1E400] =	vst v63  }
0x39: {  	_ =	swait.ge [sflag:s17], $0x1400  }
0x3a: {  	[sflag:s17] =	ssyncset.done $0x0  }
0x3b: {  	[sflag:s17] =	ssyncadd.s32 $0xFFFFEC00  }
0x3c: {  	[tilespmem:s18], [sflag:$0x3] =	stream.linear.gather [hbm4b:s13+s30], $0x1400, $0x38;
	[tilespmem:$0x1E400] =	vst v63  }
0x3d: {  	_ =	swait.ge [sflag:s17], $0x1400  }
0x3e: {  	[sflag:s17] =	ssyncset.done $0x0  }
0x3f: {  	[sflag:s17] =	ssyncadd.s32 $0xFFFFEC00  }
0x40: {  	[tilespmem:s16], [sflag:$0x1] =	stream.indirect.gather [hbm4b:s0+s19], $0x80, s30, s19, $0xb8;
	[tilespmem:$0x1E400] =	vst v63  }
0x41: {  	s31 =	simm.s32 $0x80  }
0x42: {  	[tilespmem:s20], [sflag:$0x2] =	stream.indirect.gather [hbm4b:s0+s19], $0x80, s31, s19, $0xb8;
	[tilespmem:$0x1E400] =	vst v63  }
0x43: {  	_ =	swait.ge [sflag:s21], $0x4000  }
0x44: {  	[sflag:s21] =	ssyncset.done $0x0  }
0x45: {  	s29 =	simm.s32 $0x1400;
	[sflag:s21] =	ssyncadd.s32 $0xFFFFC000  }
0x46: {  	[spmem:s3] =	stream.indirect.scatter.add.f32 [tilespmem:s16], [sflag:$0x3], $0x80, s29, s19, $0xb8;
	[tilespmem:$0x1E400] =	vst v63  }
0x47: {  	_ =	swait.ge [sflag:s17], $0x4000  }
0x48: {  	[sflag:s17] =	ssyncset.done $0x0  }
0x49: {  	s30 =	simm.s32 $0x100;
	[sflag:s17] =	ssyncadd.s32 $0xFFFFC000  }
0x4a: {  	[tilespmem:s16], [sflag:$0x1] =	stream.indirect.gather [hbm4b:s0+s19], $0x80, s30, s19, $0xb8;
	[tilespmem:$0x1E400] =	vst v63  }
0x4b: {  	_ =	swait.ge [sflag:s22], $0x4000  }
0x4c: {  	[sflag:s22] =	ssyncset.done $0x0  }
0x4d: {  	s31 =	simm.s32 $0x1480;
	[sflag:s22] =	ssyncadd.s32 $0xFFFFC000  }
0x4e: {  	[spmem:s3] =	stream.indirect.scatter.add.f32 [tilespmem:s20], [sflag:$0x3], $0x80, s31, s19, $0xb8;
	[tilespmem:$0x1E400] =	vst v63  }
0x4f: {  	_ =	swait.ge [sflag:s17], $0x4000  }
0x50: {  	s28 =	simm.s32 $0x800;
	s26 =	simm.s32 $0x100;
	[sflag:s17] =	ssyncset.done $0x0  }
.LBB2_4:
0x51: {  	s29 =	sadd.s32 $0x80, s26  }
0x52: {  	[sflag:s17] =	ssyncadd.s32 $0xFFFFC000;
	s30 =	smov.u32 s28;
	s31 =	sadd.s32 $0x400, s28  }
0x53: {  	[tilespmem:s20], [sflag:$0x2] =	stream.indirect.gather [hbm4b:s0+s19], $0x80, s29, s19, $0xb8;
	[tilespmem:$0x1E400] =	vst v63  }
0x54: {  	p0 =	sne.s32 s28, $0x4800;
	_ =	swait.ge [sflag:s21], $0x4000  }
0x55: {  	[sflag:s21] =	ssyncset.done $0x0  }
0x56: {  	s28 =	sadd.s32 $0x1400, s26;
	[sflag:s21] =	ssyncadd.s32 $0xFFFFC000  }
0x57: {  	[spmem:s3] =	stream.indirect.scatter.add.f32 [tilespmem:s16], [sflag:$0x3], $0x80, s28, s19, $0xb8;
	[tilespmem:$0x1E400] =	vst v63  }
0x58: {  	_ =	swait.ge [sflag:s17], $0x4000  }
0x59: {  	[sflag:s17] =	ssyncset.done $0x0  }
0x5a: {  	s28 =	sadd.s32 $0x100, s26;
	[sflag:s17] =	ssyncadd.s32 $0xFFFFC000  }
0x5b: {  	[tilespmem:s16], [sflag:$0x1] =	stream.indirect.gather [hbm4b:s0+s19], $0x80, s28, s19, $0xb8;
	[tilespmem:$0x1E400] =	vst v63  }
0x5c: {  	_ =	swait.ge [sflag:s22], $0x4000  }
.Ltmp1:
0x5d: {  	[sflag:s22] =	ssyncset.done $0x0;
	(pc) =	sbr.rel @p0 .LBB2_4-.Ltmp1, $4  }
0x5e: {  	s26 =	sadd.s32 $0x1480, s26;
	[sflag:s22] =	ssyncadd.s32 $0xFFFFC000  }
0x5f: {  	[spmem:s3] =	stream.indirect.scatter.add.f32 [tilespmem:s20], [sflag:$0x3], $0x80, s26, s19, $0xb8;
	[tilespmem:$0x1E400] =	vst v63  }
0x60: {  	_ =	swait.ge [sflag:s17], $0x4000  }
0x61: {  	s28 =	smov.u32 s31;
	s26 =	sshra.s32 s30, $0x2;
	[sflag:s17] =	ssyncset.done $0x0  }
0x62: {  	s28 =	sadd.s32 $0x80, s26;
	[sflag:s17] =	ssyncadd.s32 $0xFFFFC000  }
0x63: {  	[tilespmem:s20], [sflag:$0x2] =	stream.indirect.gather [hbm4b:s0+s19], $0x80, s28, s19, $0xb8;
	[tilespmem:$0x1E400] =	vst v63  }
0x64: {  	_ =	swait.ge [sflag:s21], $0x4000  }
0x65: {  	[sflag:s21] =	ssyncset.done $0x0  }
0x66: {  	s28 =	sadd.s32 $0x1400, s26;
	[sflag:s21] =	ssyncadd.s32 $0xFFFFC000  }
0x67: {  	[spmem:s3] =	stream.indirect.scatter.add.f32 [tilespmem:s16], [sflag:$0x3], $0x80, s28, s19, $0xb8;
	[tilespmem:$0x1E400] =	vst v63  }
0x68: {  	_ =	swait.ge [sflag:s17], $0x4000  }
0x69: {  	[sflag:s17] =	ssyncset.done $0x0  }
0x6a: {  	s28 =	sadd.s32 $0x100, s26;
	[sflag:s17] =	ssyncadd.s32 $0xFFFFC000  }
0x6b: {  	[tilespmem:s16], [sflag:$0x1] =	stream.indirect.gather [hbm4b:s0+s19], $0x80, s28, s19, $0xb8;
	[tilespmem:$0x1E400] =	vst v63  }
0x6c: {  	_ =	swait.ge [sflag:s22], $0x4000  }
0x6d: {  	[sflag:s22] =	ssyncset.done $0x0  }
0x6e: {  	s29 =	sadd.s32 $0x1480, s26;
	[sflag:s22] =	ssyncadd.s32 $0xFFFFC000  }
0x6f: {  	[spmem:s3] =	stream.indirect.scatter.add.f32 [tilespmem:s20], [sflag:$0x3], $0x80, s29, s19, $0xb8;
	[tilespmem:$0x1E400] =	vst v63  }
0x70: {  	_ =	swait.ge [sflag:s17], $0x4000  }
0x71: {  	[sflag:s17] =	ssyncset.done $0x0  }
0x72: {  	[sflag:s17] =	ssyncadd.s32 $0xFFFFC000  }
0x73: {  	[tilespmem:s20], [sflag:$0x2] =	stream.indirect.gather [hbm4b:s0+s19], $0x80, s23, s19, $0xb8;
	[tilespmem:$0x1E400] =	vst v63  }
0x74: {  	_ =	swait.ge [sflag:s21], $0x4000  }
0x75: {  	[sflag:s21] =	ssyncset.done $0x0  }
0x76: {  	[sflag:s21] =	ssyncadd.s32 $0xFFFFC000  }
0x77: {  	[spmem:s3] =	stream.indirect.scatter.add.f32 [tilespmem:s16], [sflag:$0x3], $0x80, s24, s19, $0xb8;
	[tilespmem:$0x1E400] =	vst v63  }
0x78: {  	_ =	swait.ge [sflag:s17], $0x4000  }
0x79: {  	[sflag:s17] =	ssyncset.done $0x0  }
0x7a: {  	[sflag:s17] =	ssyncadd.s32 $0xFFFFC000  }
0x7b: {  	_ =	swait.ge [sflag:s22], $0x4000  }
0x7c: {  	[sflag:s22] =	ssyncset.done $0x0  }
0x7d: {  	[sflag:s22] =	ssyncadd.s32 $0xFFFFC000  }
0x7e: {  	[spmem:s3] =	stream.indirect.scatter.add.f32 [tilespmem:s20], [sflag:$0x3], $0x80, s25, s19, $0xb8;
	[tilespmem:$0x1E400] =	vst v63  }
0x7f: {  	_ =	swait.ge [sflag:s17], $0x4000  }
0x80: {  	[sflag:s17] =	ssyncset.done $0x0  }
0x81: {  	s30 =	simm.s32 $0x0;
	[sflag:s17] =	ssyncadd.s32 $0xFFFFC000  }
0x82: {  	[tilespmem:s30], [sflag:$0x3] =	stream.linear.gather [hbm4b:s14+s30], $0x1400, $0x38;
	[tilespmem:$0x1E400] =	vst v63  }
0x83: {  	_ =	swait.ge [sflag:s17], $0x1400  }
0x84: {  	[sflag:s17] =	ssyncset.done $0x0  }
0x85: {  	[sflag:s17] =	ssyncadd.s32 $0xFFFFEC00  }
0x86: {  	[tilespmem:s18], [sflag:$0x3] =	stream.linear.gather [hbm4b:s15+s30], $0x1400, $0x38;
	[tilespmem:$0x1E400] =	vst v63  }
0x87: {  	_ =	swait.ge [sflag:s17], $0x1400  }
0x88: {  	[sflag:s17] =	ssyncset.done $0x0  }
0x89: {  	[sflag:s17] =	ssyncadd.s32 $0xFFFFEC00  }
0x8a: {  	[tilespmem:s16], [sflag:$0x1] =	stream.indirect.gather [hbm4b:s0+s19], $0x80, s30, s19, $0xb8;
	[tilespmem:$0x1E400] =	vst v63  }
0x8b: {  	s31 =	simm.s32 $0x80  }
0x8c: {  	[tilespmem:s20], [sflag:$0x2] =	stream.indirect.gather [hbm4b:s0+s19], $0x80, s31, s19, $0xb8;
	[tilespmem:$0x1E400] =	vst v63  }
0x8d: {  	_ =	swait.ge [sflag:s21], $0x4000  }
0x8e: {  	[sflag:s21] =	ssyncset.done $0x0  }
0x8f: {  	s29 =	simm.s32 $0x1400;
	[sflag:s21] =	ssyncadd.s32 $0xFFFFC000  }
0x90: {  	[spmem:s3] =	stream.indirect.scatter.add.f32 [tilespmem:s16], [sflag:$0x3], $0x80, s29, s19, $0xb8;
	[tilespmem:$0x1E400] =	vst v63  }
0x91: {  	_ =	swait.ge [sflag:s17], $0x4000  }
0x92: {  	[sflag:s17] =	ssyncset.done $0x0  }
0x93: {  	s30 =	simm.s32 $0x100;
	[sflag:s17] =	ssyncadd.s32 $0xFFFFC000  }
0x94: {  	[tilespmem:s16], [sflag:$0x1] =	stream.indirect.gather [hbm4b:s0+s19], $0x80, s30, s19, $0xb8;
	[tilespmem:$0x1E400] =	vst v63  }
0x95: {  	_ =	swait.ge [sflag:s22], $0x4000  }
0x96: {  	[sflag:s22] =	ssyncset.done $0x0  }
0x97: {  	s31 =	simm.s32 $0x1480;
	[sflag:s22] =	ssyncadd.s32 $0xFFFFC000  }
0x98: {  	[spmem:s3] =	stream.indirect.scatter.add.f32 [tilespmem:s20], [sflag:$0x3], $0x80, s31, s19, $0xb8;
	[tilespmem:$0x1E400] =	vst v63  }
0x99: {  	_ =	swait.ge [sflag:s17], $0x4000  }
0x9a: {  	s26 =	simm.s32 $0x100;
	s28 =	simm.s32 $0x800;
	[sflag:s17] =	ssyncset.done $0x0  }
.LBB2_6:
0x9b: {  	s29 =	sadd.s32 $0x80, s26  }
0x9c: {  	[sflag:s17] =	ssyncadd.s32 $0xFFFFC000;
	s30 =	smov.u32 s28;
	s31 =	sadd.s32 $0x400, s28  }
0x9d: {  	[tilespmem:s20], [sflag:$0x2] =	stream.indirect.gather [hbm4b:s0+s19], $0x80, s29, s19, $0xb8;
	[tilespmem:$0x1E400] =	vst v63  }
0x9e: {  	p0 =	sne.s32 s28, $0x4800;
	_ =	swait.ge [sflag:s21], $0x4000  }
0x9f: {  	[sflag:s21] =	ssyncset.done $0x0  }
0xa0: {  	s28 =	sadd.s32 $0x1400, s26;
	[sflag:s21] =	ssyncadd.s32 $0xFFFFC000  }
0xa1: {  	[spmem:s3] =	stream.indirect.scatter.add.f32 [tilespmem:s16], [sflag:$0x3], $0x80, s28, s19, $0xb8;
	[tilespmem:$0x1E400] =	vst v63  }
0xa2: {  	_ =	swait.ge [sflag:s17], $0x4000  }
0xa3: {  	[sflag:s17] =	ssyncset.done $0x0  }
0xa4: {  	s28 =	sadd.s32 $0x100, s26;
	[sflag:s17] =	ssyncadd.s32 $0xFFFFC000  }
0xa5: {  	[tilespmem:s16], [sflag:$0x1] =	stream.indirect.gather [hbm4b:s0+s19], $0x80, s28, s19, $0xb8;
	[tilespmem:$0x1E400] =	vst v63  }
0xa6: {  	_ =	swait.ge [sflag:s22], $0x4000  }
.Ltmp2:
0xa7: {  	[sflag:s22] =	ssyncset.done $0x0;
	(pc) =	sbr.rel @p0 .LBB2_6-.Ltmp2, $4  }
0xa8: {  	s26 =	sadd.s32 $0x1480, s26;
	[sflag:s22] =	ssyncadd.s32 $0xFFFFC000  }
0xa9: {  	[spmem:s3] =	stream.indirect.scatter.add.f32 [tilespmem:s20], [sflag:$0x3], $0x80, s26, s19, $0xb8;
	[tilespmem:$0x1E400] =	vst v63  }
0xaa: {  	_ =	swait.ge [sflag:s17], $0x4000  }
0xab: {  	s28 =	smov.u32 s31;
	s26 =	sshra.s32 s30, $0x2;
	[sflag:s17] =	ssyncset.done $0x0  }
0xac: {  	s28 =	sadd.s32 $0x80, s26;
	[sflag:s17] =	ssyncadd.s32 $0xFFFFC000  }
0xad: {  	[tilespmem:s20], [sflag:$0x2] =	stream.indirect.gather [hbm4b:s0+s19], $0x80, s28, s19, $0xb8;
	[tilespmem:$0x1E400] =	vst v63  }
0xae: {  	_ =	swait.ge [sflag:s21], $0x4000  }
0xaf: {  	[sflag:s21] =	ssyncset.done $0x0  }
0xb0: {  	s30 =	sadd.s32 $0x1400, s26;
	[sflag:s21] =	ssyncadd.s32 $0xFFFFC000  }
0xb1: {  	[spmem:s3] =	stream.indirect.scatter.add.f32 [tilespmem:s16], [sflag:$0x3], $0x80, s30, s19, $0xb8;
	[tilespmem:$0x1E400] =	vst v63  }
0xb2: {  	_ =	swait.ge [sflag:s17], $0x4000  }
0xb3: {  	[sflag:s17] =	ssyncset.done $0x0  }
0xb4: {  	s31 =	sadd.s32 $0x100, s26;
	[sflag:s17] =	ssyncadd.s32 $0xFFFFC000  }
0xb5: {  	[tilespmem:s16], [sflag:$0x1] =	stream.indirect.gather [hbm4b:s0+s19], $0x80, s31, s19, $0xb8;
	[tilespmem:$0x1E400] =	vst v63  }
0xb6: {  	_ =	swait.ge [sflag:s22], $0x4000  }
0xb7: {  	[sflag:s22] =	ssyncset.done $0x0  }
0xb8: {  	s29 =	sadd.s32 $0x1480, s26;
	[sflag:s22] =	ssyncadd.s32 $0xFFFFC000  }
0xb9: {  	[spmem:s3] =	stream.indirect.scatter.add.f32 [tilespmem:s20], [sflag:$0x3], $0x80, s29, s19, $0xb8;
	[tilespmem:$0x1E400] =	vst v63  }
0xba: {  	_ =	swait.ge [sflag:s17], $0x4000  }
0xbb: {  	[sflag:s17] =	ssyncset.done $0x0  }
0xbc: {  	[sflag:s17] =	ssyncadd.s32 $0xFFFFC000  }
0xbd: {  	[tilespmem:s20], [sflag:$0x2] =	stream.indirect.gather [hbm4b:s0+s19], $0x80, s23, s19, $0xb8;
	[tilespmem:$0x1E400] =	vst v63  }
0xbe: {  	_ =	swait.ge [sflag:s21], $0x4000  }
0xbf: {  	[sflag:s21] =	ssyncset.done $0x0  }
0xc0: {  	[sflag:s21] =	ssyncadd.s32 $0xFFFFC000  }
0xc1: {  	[spmem:s3] =	stream.indirect.scatter.add.f32 [tilespmem:s16], [sflag:$0x3], $0x80, s24, s19, $0xb8;
	[tilespmem:$0x1E400] =	vst v63  }
0xc2: {  	_ =	swait.ge [sflag:s17], $0x4000  }
0xc3: {  	[sflag:s17] =	ssyncset.done $0x0  }
0xc4: {  	[sflag:s17] =	ssyncadd.s32 $0xFFFFC000  }
0xc5: {  	_ =	swait.ge [sflag:s22], $0x4000  }
0xc6: {  	[sflag:s22] =	ssyncset.done $0x0  }
0xc7: {  	[sflag:s22] =	ssyncadd.s32 $0xFFFFC000  }
0xc8: {  	[spmem:s3] =	stream.indirect.scatter.add.f32 [tilespmem:s20], [sflag:$0x3], $0x80, s25, s19, $0xb8;
	[tilespmem:$0x1E400] =	vst v63  }
0xc9: {  	_ =	swait.ge [sflag:s17], $0x4000  }
0xca: {  	s4 =	sadd.s32 $0x1, s4;
	s30 =	sshll.u32 s2, $0x6;
	[sflag:s17] =	ssyncset.done $0x0  }
0xcb: {  	p0 =	sne.s32 s4, s11;
	s26 =	sor.u32 $0x1C03, s30;
	[sflag:s17] =	ssyncadd.s32 $0xFFFFC000  }
.Ltmp3:
0xcc: {  	s31 =	sshrl.u32 s5, $0x3;
	[bflag:$0x0] =	sbarrier.arrive $0xFFFF;
	(pc) =	sbr.rel @p0 .LBB2_1-.Ltmp3, $4  }
0xcd: {  	[hbm:s10], [sflag:s26] =	dma.local [spmem:s31], $0x2780  }
0xce: {  	_ =	swait.ge [sflag:s17], $0x2780  }
0xcf: {  	[sflag:s17] =	ssyncset.done $0x0  }
0xd0: {  	[sflag:s17] =	ssyncadd.s32 $0xFFFFD880  }
0xd1: {  	_ =	sfence.sel $0x180000  }
0xd2: {  	[bflag:$0x0] =	sbarrier.arrive $0xFFFF  }
0xd3: {  	p0 =	sne.s32 s2, $0x0;
	_ =	strace $0x90000047  }
0xd4: {  	s0 =	sadd.s32 @!p0 $0x100000, s1;
	[bflag:$0x2] =	sbarrier.arrive $0xFFFF  }
0xd5: {  	[sflag:s0] =	ssyncadd.tile.s32 @!p0 $0x1;
	_ =	shalt  }
.Lfunc_end2:
_tile_overlayer_lowered:
.L_overlay_start_2:
0xd6: {  	(tag) =	ssettag $0x2  }
0xd7: {  	s0 =	rddreg [dreg:$0x0];
	s2 =	stileid.u32  }
0xd8: {  	s1 =	rddreg [dreg:$0x1];
	p0 =	sne.s32 s2, $0x0  }
0xd9: {  	s3 =	rddreg [dreg:$0x2];
	[bflag:$0x3] =	sbarrier.arrive $0xFFFF;
	s2 =	simm.s32 @!p0 $0x1C03  }
0xda: {  	[timem:s3], [sflag:s2] =	dma.local @!p0 [hbm:s0], s1  }
0xdb: {  	s0 =	simm.s32 @!p0 $0x3  }
0xdc: {  	_ =	swait.ge @!p0 [sflag:s0], s1  }
0xdd: {  	s1 =	ssub.s32 @!p0 $0x0, s1;
	[sflag:s0] =	ssyncset.done @!p0 $0x0  }
0xde: {  	[sflag:s0] =	ssyncadd.s32 @!p0 s1  }
0xdf: {  	[bflag:$0x3] =	sbarrier.arrive $0xFFFF  }
0xe0: {  	_ =	shalt  }

// kernel: kernel.9.cloned.1.call-start
scs
__scs_entry_jumppad:
0x0: {  	(pc) =	sbr.rel $0x88, $3  }
0x1: {  	(tag) =	ssettag $0x0;
	lr =	simm.s32 $0x1  }
0x2: {  	[smem:$0x3F91] =	sst lr;
	_ =	strace $0xD0000000  }
0x3: {  	_ = 	snop  }
0x4: {  	_ = 	snop  }
0x5: {  	_ = 	snop  }
0x6: {  	_ = 	snop  }
0x7: {  	_ = 	snop  }
__scs_overlays_trampoline_lowered:
0x8: {  	[smem:$0x3FA0] =	sst s0  }
0x9: {  	[smem:$0x3FA1] =	sst s1  }
0xa: {  	[smem:$0x3FA2] =	sst s2  }
0xb: {  	[smem:$0x3FA3] =	sst s3  }
0xc: {  	[smem:$0x3FA4] =	sst s4  }
0xd: {  	[smem:$0x3FA5] =	sst s5  }
0xe: {  	[smem:$0x3FA6] =	sst s6  }
0xf: {  	[smem:$0x3FA7] =	sst s7  }
0x10: {  	[smem:$0x3FA8] =	sst s8  }
0x11: {  	[smem:$0x3FA9] =	sst s9;
	s0 =	simm.s32 @!p0 $0x0  }
0x12: {  	s1 =	sld [smem:$0x3F8F];
	s0 =	simm.s32 @p0 $0x1  }
0x13: {  	[smem:$0x3FAA] =	sst s0;
	s0 =	simm.s32 @!p1 $0x0  }
0x14: {  	s2 =	sld [smem:$0x3F8E];
	s0 =	simm.s32 @p1 $0x1  }
0x15: {  	[smem:$0x3FAB] =	sst s0;
	s0 =	simm.s32 @!p2 $0x0  }
0x16: {  	s3 =	sld [smem:$0x3FDB];
	s0 =	simm.s32 @p2 $0x1  }
0x17: {  	s4 =	simm.s32 $0x1BF5;
	[smem:$0x3FAD] =	sst s0  }
0x18: {  	s0 =	sld [smem:$0x3F90];
	_ =	swait.ge [sflag:s4], $0x0  }
0x19: {  	s7 =	sld [smem:$0x3F91]  }
0x1a: {  	s8 =	sadd.s32 $0xFFFFE003, lr  }
0x1b: {  	s9 =	sadd.s32 $0xFFFFFEF7, lr;
	s5 =	simm.s32 $0xFFFFFFFF;
	p2 =	slt.u32 s8, $0xFFFFF086  }
0x1c: {  	p1 =	slt.u32 s9, $0xF7A;
	s5 =	simm.s32 @!p2 $0x0  }
0x1d: {  	s5 =	simm.s32 @p1 $0x1;
	p0 =	seq.s32 s7, s2  }
0x1e: {  	s7 =	smul.u32 @!p0 $0xF7A, s2;
	p2 =	seq.s32 @!p0 s5, $0x0  }
0x1f: {  	s9 =	smul.u32 $0xF7A, s1;
	s8 =	simm.s32 @!p0 $0x1BF5;
	p2 =	por !p2, p0  }
0x20: {  	[sflag:s8] =	ssyncset.s32 @!p0 $0xFFFFF086;
	s6 =	sadd.s32 @!p0 s3, s7;
	s7 =	simm.s32 @!p0 $0x108  }
0x21: {  	s3 =	sadd.s32 s3, s9;
	s6 =	sadd.s32 @!p0 $0x88, s6;
	s7 =	simm.s32 @p2 $0x1082  }
0x22: {  	[simem:s7], [sflag:s8] =	dma.local @!p0 [hbm:s6], $0xF7A  }
0x23: {  	s9 =	sor.u32 $0xD0000000, s2;
	s6 =	simm.s32 $0x108;
	_ =	swait.ge @!p0 [sflag:s8], $0x0  }
0x24: {  	s3 =	sadd.s32 $0x88, s3;
	s6 =	simm.s32 @!p1 $0x1082;
	[sflag:s4] =	ssyncset.s32 $0xFFFFF086  }
0x25: {  	[simem:s6], [sflag:s4] =	dma.local [hbm:s3], $0xF7A  }
0x26: {  	[smem:$0x3F91] =	sst s1;
	(tag) =	ssettag s2;
	_ =	strace s9  }
0x27: {  	s1 =	sld [smem:$0x3FA1]  }
0x28: {  	s2 =	sld [smem:$0x3FA2]  }
0x29: {  	s4 =	sld [smem:$0x3FA4]  }
0x2a: {  	p0 =	seq.s32 s5, $0x0;
	s5 =	sld [smem:$0x3FA5]  }
0x2b: {  	s6 =	sld [smem:$0x3FA6]  }
0x2c: {  	s7 =	sld [smem:$0x3FA7]  }
0x2d: {  	s3 =	simm.s32 $0x108;
	s8 =	sld [smem:$0x3FA8]  }
0x2e: {  	s3 =	simm.s32 @!p0 $0x1082;
	s9 =	sld [smem:$0x3FA9]  }
0x2f: {  	lr =	sadd.s32 s0, s3;
	s0 =	sld [smem:$0x3FA0]  }
0x30: {  	s3 =	sld [smem:$0x3FA3]  }
0x31: {  	[smem:$0x3FAC] =	sst s10  }
0x32: {  	s10 =	sld [smem:$0x3FAA];
	_ =	sdelay $0x3  }
0x33: {  	p0 =	seq.s32 s10, $0x1;
	s10 =	sld [smem:$0x3FAC];
	_ =	sdelay $0x3  }
0x34: {  	[smem:$0x3FAC] =	sst s10  }
0x35: {  	s10 =	sld [smem:$0x3FAB];
	_ =	sdelay $0x3  }
0x36: {  	p1 =	seq.s32 s10, $0x1;
	s10 =	sld [smem:$0x3FAC];
	_ =	sdelay $0x3  }
0x37: {  	[smem:$0x3FAC] =	sst s10  }
0x38: {  	s10 =	sld [smem:$0x3FAD]  }
0x39: {  	_ = 	snop;
	(pc) =	sbr.ind lr, $3  }
0x3a: {  	_ = 	snop  }
0x3b: {  	_ = 	snop  }
0x3c: {  	p2 =	seq.s32 s10, $0x1;
	s10 =	sld [smem:$0x3FAC]  }
0x3d: {  	_ =	shalt  }
0x3e: {  	_ =	shalt  }
0x3f: {  	_ =	shalt  }
0x40: {  	_ =	shalt  }
0x41: {  	_ =	shalt  }
0x42: {  	_ =	shalt  }
0x43: {  	_ =	shalt  }
0x44: {  	_ =	shalt  }
0x45: {  	_ =	shalt  }
0x46: {  	_ =	shalt  }
0x47: {  	_ =	shalt  }
0x48: {  	_ =	shalt  }
0x49: {  	_ =	shalt  }
0x4a: {  	_ =	shalt  }
0x4b: {  	_ =	shalt  }
0x4c: {  	_ =	shalt  }
0x4d: {  	_ =	shalt  }
0x4e: {  	_ =	shalt  }
0x4f: {  	_ =	shalt  }
0x50: {  	_ =	shalt  }
0x51: {  	_ =	shalt  }
0x52: {  	_ =	shalt  }
0x53: {  	_ =	shalt  }
0x54: {  	_ =	shalt  }
0x55: {  	_ =	shalt  }
0x56: {  	_ =	shalt  }
0x57: {  	_ =	shalt  }
0x58: {  	_ =	shalt  }
0x59: {  	_ =	shalt  }
0x5a: {  	_ =	shalt  }
0x5b: {  	_ =	shalt  }
0x5c: {  	_ =	shalt  }
0x5d: {  	_ =	shalt  }
0x5e: {  	_ =	shalt  }
0x5f: {  	_ =	shalt  }
0x60: {  	_ =	shalt  }
0x61: {  	_ =	shalt  }
0x62: {  	_ =	shalt  }
0x63: {  	_ =	shalt  }
0x64: {  	_ =	shalt  }
0x65: {  	_ =	shalt  }
0x66: {  	_ =	shalt  }
0x67: {  	_ =	shalt  }
0x68: {  	_ =	shalt  }
0x69: {  	_ =	shalt  }
0x6a: {  	_ =	shalt  }
0x6b: {  	_ =	shalt  }
0x6c: {  	_ =	shalt  }
0x6d: {  	_ =	shalt  }
0x6e: {  	_ =	shalt  }
0x6f: {  	_ =	shalt  }
0x70: {  	_ =	shalt  }
0x71: {  	_ =	shalt  }
0x72: {  	_ =	shalt  }
0x73: {  	_ =	shalt  }
0x74: {  	_ =	shalt  }
0x75: {  	_ =	shalt  }
0x76: {  	_ =	shalt  }
0x77: {  	_ =	shalt  }
0x78: {  	_ =	shalt  }
0x79: {  	_ =	shalt  }
0x7a: {  	_ =	shalt  }
0x7b: {  	_ =	shalt  }
0x7c: {  	_ =	shalt  }
0x7d: {  	_ =	shalt  }
0x7e: {  	_ =	shalt  }
0x7f: {  	_ =	shalt  }
0x80: {  	_ =	shalt  }
0x81: {  	_ =	shalt  }
0x82: {  	_ =	shalt  }
0x83: {  	_ =	shalt  }
0x84: {  	_ =	shalt  }
0x85: {  	_ =	shalt  }
0x86: {  	_ =	shalt  }
0x87: {  	_ =	shalt  }
.Lfunc_end0:
.L_simem_size_0:
called_computation.1_lowered:
.L_overlay_start_0:
0x88: {  	s2 =	sld [smem:$0x3FD9]  }
0x89: {  	s3 =	sld [smem:$0x3FFE];
	_ =	sdelay $0x1  }
0x8a: {  	s1 =	srdreg.scid  }
0x8b: {  	s0 =	sand.u32 $0x1, s1  }
0x8c: {  	s17 =	sshll.u32 s0, $0xA;
	s2 =	sadd.s32 s3, s2  }
0x8d: {  	s2 =	sadd.s32 s2, s17  }
0x8e: {  	[smem:$0x3FB8] =	sst s2  }
0x8f: {  	_ = 	snop  }
0x90: {  	s2 =	sld [smem:$0x3FD0];
	(tm) =	ssettm $0x1  }
0x91: {  	s18 =	sld [smem:$0x3FFB];
	_ =	sdelay $0x3  }
0x92: {  	_ =	strace s18  }
0x93: {  	s3 =	sld [smem:$0x3FFC];
	_ =	sdelay $0x3  }
0x94: {  	_ =	strace s3  }
0x95: {  	s3 =	sld [smem:$0x3FFD];
	_ =	sdelay $0x3  }
0x96: {  	_ =	strace s3  }
0x97: {  	_ =	strace $0x8FFFFFFF  }
0x98: {  	s19 =	sld [smem:$0x3FDB];
	_ =	sdelay $0x1  }
0x99: {  	s4 =	simm.s32 $_scs_section_size  }
0x9a: {  	s5 =	simm.s32 $_size__tile_overlayer_lowered;
	s6 =	simm.s32 $_tile_overlayer_lowered  }
0x9b: {  	s22 =	simm.s32 $0x1BFF;
	s21 =	sshll.u32 s6, $0x1;
	s3 =	sadd.s32 s4, s19  }
0x9c: {  	s7 =	simm.s32 $0x0;
	s20 =	sshll.u32 s5, $0x1;
	s5 =	sadd.s32 s21, s3  }
0x9d: {  	[timem:s7], [sflag:s22] =	dma.local [hbm:s5], s20  }
0x9e: {  	_ =	swait.ge [sflag:s22], s20  }
0x9f: {  	s4 =	ssub.s32 $0x0, s20;
	[sflag:s22] =	ssyncset.done $0x0  }
0xa0: {  	[sflag:s22] =	ssyncadd.s32 s4;
	_ =	sdelay $0x1  }
0xa1: {  	s23 =	simm.s32 $0x1B8B  }
0xa2: {  	_ =	swait.ge [sflag:s23], $0x1  }
0xa3: {  	[sflag:s23] =	ssyncset.done $0x0  }
0xa4: {  	s25 =	simm.s32 $0x1B8E;
	s24 =	sld [smem:$0x3FFE];
	[sflag:s23] =	ssyncadd.s32 $0xFFFFFFFF  }
0xa5: {  	s26 =	simm.s32 $execute0_lowered;
	[smem:$0x3FD2] =	sst s25  }
0xa6: {  	s5 =	sshll.u32 s26, $0x1;
	_ =	strace $0x80000049;
	[dreg:$0x1] =	wrdreg $0xFFFFFFFF  }
0xa7: {  	s28 =	simm.s32 $_size_execute0_lowered;
	s3 =	sadd.s32 s3, s5;
	[dreg:$0x0] =	wrdreg $0x0  }
0xa8: {  	s5 =	sshll.u32 s28, $0x1;
	[dreg:$0x2] =	wrdreg s3  }
0xa9: {  	[dreg:$0x3] =	wrdreg s5  }
0xaa: {  	[dreg:$0x4] =	wrdreg $0xC0  }
0xab: {  	_ =	task [dreg:s7], $0x5FFFF  }
0xac: {  	[dreg:$0x1] =	wrdreg $0xFFFFFFFF  }
0xad: {  	[dreg:$0x0] =	wrdreg $0x60  }
0xae: {  	[dreg:$0x2] =	wrdreg s2  }
0xaf: {  	[dreg:$0x3] =	wrdreg s24  }
0xb0: {  	[dreg:$0x4] =	wrdreg $0xA8000  }
0xb1: {  	[dreg:$0x5] =	wrdreg $0x9  }
0xb2: {  	_ =	task.clear_ibuf [dreg:s7], $0x6FFFF;
	_ =	strace $0x90000049  }
0xb3: {  	s29 =	simm.s32 $0x9;
	_ =	strace $0x8000004B  }
0xb4: {  	_ =	swait.ge [sflag:s29], $0x1  }
0xb5: {  	[sflag:s29] =	ssyncadd.s32 $0xFFFFFFFF  }
0xb6: {  	_ =	strace $0x9000004B  }
0xb7: {  	_ =	sfence  }
0xb8: {  	s30 =	sld [smem:$0x0];
	_ =	sdelay $0x2  }
0xb9: {  	s31 =	sshll.u32 s1, $0xD;
	s1 =	sshrl.u32 s1, $0x2  }
0xba: {  	s3 =	sand.u32 $0x4000, s31;
	s1 =	sadd.s32 s1, s30  }
0xbb: {  	s0 =	sor.u32 s3, s0;
	s1 =	sshll.u32 s1, $0x11  }
0xbc: {  	s0 =	sor.u32 s1, s0  }
0xbd: {  	s0 =	sadd.s32 $0x8F2B, s0  }
0xbe: {  	[sflag:s0] =	ssyncadd.remote.s32 $0x1  }
0xbf: {  	_ =	sfence.sel $0xFFFF  }
0xc0: {  	[dreg:$0x0] =	wrdreg $0xFFFFFFFF;
	(pc) =	sbr.abs _section_cstart, $3  }
0xc1: {  	[dreg:$0x1] =	wrdreg $0xFFFFFFFF  }
0xc2: {  	_ =	task.clear_ibuf [dreg:s7], $0x2FFFF;
	_ =	strace $0x9FFFFFFF  }
0xc3: {  	(tm) =	ssettm $0x7FFFFFFF  }
tec
execute0_lowered:
.L_overlay_start_1:
0x0: {  	(tag) =	ssettag $0x1  }
0x1: {  	s0 =	rddreg [dreg:$0x0]  }
0x2: {  	s5 =	rddreg [dreg:$0x1];
	s1 =	srdreg.scid  }
0x3: {  	s3 =	rddreg [dreg:$0x2];
	s2 =	stileid.u32  }
0x4: {  	s4 =	simm.s32 $0x0;
	s17 =	simm.s32 $0x3;
	s18 =	simm.s32 $0x1400  }
0x5: {  	s19 =	simm.s32 $0x80;
	s20 =	simm.s32 $0x6800;
	s21 =	simm.s32 $0x1  }
0x6: {  	s22 =	simm.s32 $0x2;
	s23 =	simm.s32 $0x1380;
	s24 =	simm.s32 $0x2700  }
0x7: {  	s6 =	sand.u32 $0x1, s1;
	s1 =	rddreg [dreg:$0x3];
	s8 =	smul.u32 $0x13C00, s2  }
0x8: {  	s25 =	simm.s32 $0x2780;
	[smem:$0x7FF] =	sst s4;
	s28 =	smul.u32 $0x4F000, s2  }
0x9: {  	s14 =	sadd.s32 $0x2C00, s5;
	s15 =	sadd.s32 $0xCC00, s5;
	s7 =	smul.u32 $0x13C000, s6  }
0xa: {  	_ =	strace $0x8000004A;
	s29 =	ssub.s32 $0x2, s6;
	s6 =	sshll.u32 s6, $0x4  }
0xb: {  	s31 =	sshrl.u32 s29, $0x1;
	s9 =	sor.u32 s2, s6;
	s7 =	sadd.s32 s8, s7  }
0xc: {  	s11 =	ssub.s32 s29, s31;
	s16 =	smul.u32 $0x500, s9;
	s7 =	sshrl.u32 s7, $0x3  }
0xd: {  	s30 =	sshrl.u32 s28, $0x2;
	s11 =	smax.u32 s11, $0x1;
	s10 =	sadd.s32 s7, s5  }
0xe: {  	s5 =	sadd.s32 s30, s3;
	s12 =	sadd.s32 s14, s16;
	s13 =	sadd.s32 s15, s16  }
0xf: {  	s16 =	sadd.s32 $0x280, s16;
	s6 =	sadd.s32 $0x4000, s5;
	s7 =	sadd.s32 $0x8000, s5  }
0x10: {  	s8 =	sadd.s32 $0xC000, s5;
	s9 =	sadd.s32 $0x10000, s5;
	s10 =	sadd.s32 $0x16C00, s10  }
0x11: {  	v0 =	vimm.f32 $0.0e+00;
	s14 =	sadd.s32 s14, s16;
	s15 =	sadd.s32 s15, s16;
	s16 =	simm.s32 $0x2800  }
.LBB2_1:
0x12: {  	s26 =	simm.s32 $0x0;
	s28 =	simm.s32 $0x200  }
.LBB2_2:
0x13: {  	p0 =	sne.s32 s28, $0xFE00;
	[tilespmem:s26+$0x2870] =	vst v0  }
0x14: {  	[tilespmem:s26+$0x2800] =	vst v0  }
0x15: {  	[tilespmem:s26+$0x2810] =	vst v0  }
.Ltmp0:
0x16: {  	[tilespmem:s26+$0x2820] =	vst v0;
	(pc) =	sbr.rel @p0 .LBB2_2-.Ltmp0, $4  }
0x17: {  	[tilespmem:s26+$0x2830] =	vst v0  }
0x18: {  	[tilespmem:s26+$0x2840] =	vst v0  }
0x19: {  	[tilespmem:s26+$0x2850] =	vst v0  }
0x1a: {  	[tilespmem:s26+$0x2860] =	vst v0;
	s26 =	sshra.s32 s28, $0x2;
	s28 =	sadd.s32 $0x200, s28  }
0x1b: {  	[tilespmem:s26+$0x2870] =	vst v0  }
0x1c: {  	[tilespmem:s26+$0x2800] =	vst v0  }
0x1d: {  	[tilespmem:s26+$0x2810] =	vst v0  }
0x1e: {  	[tilespmem:s26+$0x2820] =	vst v0  }
0x1f: {  	[tilespmem:s26+$0x2830] =	vst v0  }
0x20: {  	[tilespmem:s26+$0x2840] =	vst v0  }
0x21: {  	[tilespmem:s26+$0x2850] =	vst v0  }
0x22: {  	[tilespmem:s26+$0x2860] =	vst v0  }
0x23: {  	[spmem:s5] =	stream.linear.scatter [tilespmem:s16], [sflag:$0x3], $0x4000, $0x38;
	[tilespmem:$0x1E400] =	vst v63  }
0x24: {  	_ =	swait.ge [sflag:s17], $0x4000  }
0x25: {  	[sflag:s17] =	ssyncset.done $0x0  }
0x26: {  	[sflag:s17] =	ssyncadd.s32 $0xFFFFC000  }
0x27: {  	[spmem:s6] =	stream.linear.scatter [tilespmem:s16], [sflag:$0x3], $0x4000, $0x38;
	[tilespmem:$0x1E400] =	vst v63  }
0x28: {  	_ =	swait.ge [sflag:s17], $0x4000  }
0x29: {  	[sflag:s17] =	ssyncset.done $0x0  }
0x2a: {  	[sflag:s17] =	ssyncadd.s32 $0xFFFFC000  }
0x2b: {  	[spmem:s7] =	stream.linear.scatter [tilespmem:s16], [sflag:$0x3], $0x4000, $0x38;
	[tilespmem:$0x1E400] =	vst v63  }
0x2c: {  	_ =	swait.ge [sflag:s17], $0x4000  }
0x2d: {  	[sflag:s17] =	ssyncset.done $0x0  }
0x2e: {  	[sflag:s17] =	ssyncadd.s32 $0xFFFFC000  }
0x2f: {  	[spmem:s8] =	stream.linear.scatter [tilespmem:s16], [sflag:$0x3], $0x4000, $0x38;
	[tilespmem:$0x1E400] =	vst v63  }
0x30: {  	_ =	swait.ge [sflag:s17], $0x4000  }
0x31: {  	[sflag:s17] =	ssyncset.done $0x0  }
0x32: {  	[sflag:s17] =	ssyncadd.s32 $0xFFFFC000  }
0x33: {  	[spmem:s9] =	stream.linear.scatter [tilespmem:s16], [sflag:$0x3], $0x3C00, $0x38;
	[tilespmem:$0x1E400] =	vst v63  }
0x34: {  	_ =	swait.ge [sflag:s17], $0x3C00  }
0x35: {  	[sflag:s17] =	ssyncset.done $0x0  }
0x36: {  	[sflag:s17] =	ssyncadd.s32 $0xFFFFC400  }
0x37: {  	s30 =	simm.s32 $0x0;
	[bflag:$0x0] =	sbarrier.arrive $0xFFFF  }
0x38: {  	[tilespmem:s30], [sflag:$0x3] =	stream.linear.gather [hbm4b:s12+s30], $0x1400, $0x38;
	[tilespmem:$0x1E400] =	vst v63  }
0x39: {  	_ =	swait.ge [sflag:s17], $0x1400  }
0x3a: {  	[sflag:s17] =	ssyncset.done $0x0  }
0x3b: {  	[sflag:s17] =	ssyncadd.s32 $0xFFFFEC00  }
0x3c: {  	[tilespmem:s18], [sflag:$0x3] =	stream.linear.gather [hbm4b:s13+s30], $0x1400, $0x38;
	[tilespmem:$0x1E400] =	vst v63  }
0x3d: {  	_ =	swait.ge [sflag:s17], $0x1400  }
0x3e: {  	[sflag:s17] =	ssyncset.done $0x0  }
0x3f: {  	[sflag:s17] =	ssyncadd.s32 $0xFFFFEC00  }
0x40: {  	[tilespmem:s16], [sflag:$0x1] =	stream.indirect.gather [hbm4b:s0+s19], $0x80, s30, s19, $0xb8;
	[tilespmem:$0x1E400] =	vst v63  }
0x41: {  	s31 =	simm.s32 $0x80  }
0x42: {  	[tilespmem:s20], [sflag:$0x2] =	stream.indirect.gather [hbm4b:s0+s19], $0x80, s31, s19, $0xb8;
	[tilespmem:$0x1E400] =	vst v63  }
0x43: {  	_ =	swait.ge [sflag:s21], $0x4000  }
0x44: {  	[sflag:s21] =	ssyncset.done $0x0  }
0x45: {  	s29 =	simm.s32 $0x1400;
	[sflag:s21] =	ssyncadd.s32 $0xFFFFC000  }
0x46: {  	[spmem:s3] =	stream.indirect.scatter.add.f32 [tilespmem:s16], [sflag:$0x3], $0x80, s29, s19, $0xb8;
	[tilespmem:$0x1E400] =	vst v63  }
0x47: {  	_ =	swait.ge [sflag:s17], $0x4000  }
0x48: {  	[sflag:s17] =	ssyncset.done $0x0  }
0x49: {  	s30 =	simm.s32 $0x100;
	[sflag:s17] =	ssyncadd.s32 $0xFFFFC000  }
0x4a: {  	[tilespmem:s16], [sflag:$0x1] =	stream.indirect.gather [hbm4b:s0+s19], $0x80, s30, s19, $0xb8;
	[tilespmem:$0x1E400] =	vst v63  }
0x4b: {  	_ =	swait.ge [sflag:s22], $0x4000  }
0x4c: {  	[sflag:s22] =	ssyncset.done $0x0  }
0x4d: {  	s31 =	simm.s32 $0x1480;
	[sflag:s22] =	ssyncadd.s32 $0xFFFFC000  }
0x4e: {  	[spmem:s3] =	stream.indirect.scatter.add.f32 [tilespmem:s20], [sflag:$0x3], $0x80, s31, s19, $0xb8;
	[tilespmem:$0x1E400] =	vst v63  }
0x4f: {  	_ =	swait.ge [sflag:s17], $0x4000  }
0x50: {  	s28 =	simm.s32 $0x800;
	s26 =	simm.s32 $0x100;
	[sflag:s17] =	ssyncset.done $0x0  }
.LBB2_4:
0x51: {  	s29 =	sadd.s32 $0x80, s26  }
0x52: {  	[sflag:s17] =	ssyncadd.s32 $0xFFFFC000;
	s30 =	smov.u32 s28;
	s31 =	sadd.s32 $0x400, s28  }
0x53: {  	[tilespmem:s20], [sflag:$0x2] =	stream.indirect.gather [hbm4b:s0+s19], $0x80, s29, s19, $0xb8;
	[tilespmem:$0x1E400] =	vst v63  }
0x54: {  	p0 =	sne.s32 s28, $0x4800;
	_ =	swait.ge [sflag:s21], $0x4000  }
0x55: {  	[sflag:s21] =	ssyncset.done $0x0  }
0x56: {  	s28 =	sadd.s32 $0x1400, s26;
	[sflag:s21] =	ssyncadd.s32 $0xFFFFC000  }
0x57: {  	[spmem:s3] =	stream.indirect.scatter.add.f32 [tilespmem:s16], [sflag:$0x3], $0x80, s28, s19, $0xb8;
	[tilespmem:$0x1E400] =	vst v63  }
0x58: {  	_ =	swait.ge [sflag:s17], $0x4000  }
0x59: {  	[sflag:s17] =	ssyncset.done $0x0  }
0x5a: {  	s28 =	sadd.s32 $0x100, s26;
	[sflag:s17] =	ssyncadd.s32 $0xFFFFC000  }
0x5b: {  	[tilespmem:s16], [sflag:$0x1] =	stream.indirect.gather [hbm4b:s0+s19], $0x80, s28, s19, $0xb8;
	[tilespmem:$0x1E400] =	vst v63  }
0x5c: {  	_ =	swait.ge [sflag:s22], $0x4000  }
.Ltmp1:
0x5d: {  	[sflag:s22] =	ssyncset.done $0x0;
	(pc) =	sbr.rel @p0 .LBB2_4-.Ltmp1, $4  }
0x5e: {  	s26 =	sadd.s32 $0x1480, s26;
	[sflag:s22] =	ssyncadd.s32 $0xFFFFC000  }
0x5f: {  	[spmem:s3] =	stream.indirect.scatter.add.f32 [tilespmem:s20], [sflag:$0x3], $0x80, s26, s19, $0xb8;
	[tilespmem:$0x1E400] =	vst v63  }
0x60: {  	_ =	swait.ge [sflag:s17], $0x4000  }
0x61: {  	s28 =	smov.u32 s31;
	s26 =	sshra.s32 s30, $0x2;
	[sflag:s17] =	ssyncset.done $0x0  }
0x62: {  	s28 =	sadd.s32 $0x80, s26;
	[sflag:s17] =	ssyncadd.s32 $0xFFFFC000  }
0x63: {  	[tilespmem:s20], [sflag:$0x2] =	stream.indirect.gather [hbm4b:s0+s19], $0x80, s28, s19, $0xb8;
	[tilespmem:$0x1E400] =	vst v63  }
0x64: {  	_ =	swait.ge [sflag:s21], $0x4000  }
0x65: {  	[sflag:s21] =	ssyncset.done $0x0  }
0x66: {  	s28 =	sadd.s32 $0x1400, s26;
	[sflag:s21] =	ssyncadd.s32 $0xFFFFC000  }
0x67: {  	[spmem:s3] =	stream.indirect.scatter.add.f32 [tilespmem:s16], [sflag:$0x3], $0x80, s28, s19, $0xb8;
	[tilespmem:$0x1E400] =	vst v63  }
0x68: {  	_ =	swait.ge [sflag:s17], $0x4000  }
0x69: {  	[sflag:s17] =	ssyncset.done $0x0  }
0x6a: {  	s28 =	sadd.s32 $0x100, s26;
	[sflag:s17] =	ssyncadd.s32 $0xFFFFC000  }
0x6b: {  	[tilespmem:s16], [sflag:$0x1] =	stream.indirect.gather [hbm4b:s0+s19], $0x80, s28, s19, $0xb8;
	[tilespmem:$0x1E400] =	vst v63  }
0x6c: {  	_ =	swait.ge [sflag:s22], $0x4000  }
0x6d: {  	[sflag:s22] =	ssyncset.done $0x0  }
0x6e: {  	s29 =	sadd.s32 $0x1480, s26;
	[sflag:s22] =	ssyncadd.s32 $0xFFFFC000  }
0x6f: {  	[spmem:s3] =	stream.indirect.scatter.add.f32 [tilespmem:s20], [sflag:$0x3], $0x80, s29, s19, $0xb8;
	[tilespmem:$0x1E400] =	vst v63  }
0x70: {  	_ =	swait.ge [sflag:s17], $0x4000  }
0x71: {  	[sflag:s17] =	ssyncset.done $0x0  }
0x72: {  	[sflag:s17] =	ssyncadd.s32 $0xFFFFC000  }
0x73: {  	[tilespmem:s20], [sflag:$0x2] =	stream.indirect.gather [hbm4b:s0+s19], $0x80, s23, s19, $0xb8;
	[tilespmem:$0x1E400] =	vst v63  }
0x74: {  	_ =	swait.ge [sflag:s21], $0x4000  }
0x75: {  	[sflag:s21] =	ssyncset.done $0x0  }
0x76: {  	[sflag:s21] =	ssyncadd.s32 $0xFFFFC000  }
0x77: {  	[spmem:s3] =	stream.indirect.scatter.add.f32 [tilespmem:s16], [sflag:$0x3], $0x80, s24, s19, $0xb8;
	[tilespmem:$0x1E400] =	vst v63  }
0x78: {  	_ =	swait.ge [sflag:s17], $0x4000  }
0x79: {  	[sflag:s17] =	ssyncset.done $0x0  }
0x7a: {  	[sflag:s17] =	ssyncadd.s32 $0xFFFFC000  }
0x7b: {  	_ =	swait.ge [sflag:s22], $0x4000  }
0x7c: {  	[sflag:s22] =	ssyncset.done $0x0  }
0x7d: {  	[sflag:s22] =	ssyncadd.s32 $0xFFFFC000  }
0x7e: {  	[spmem:s3] =	stream.indirect.scatter.add.f32 [tilespmem:s20], [sflag:$0x3], $0x80, s25, s19, $0xb8;
	[tilespmem:$0x1E400] =	vst v63  }
0x7f: {  	_ =	swait.ge [sflag:s17], $0x4000  }
0x80: {  	[sflag:s17] =	ssyncset.done $0x0  }
0x81: {  	s30 =	simm.s32 $0x0;
	[sflag:s17] =	ssyncadd.s32 $0xFFFFC000  }
0x82: {  	[tilespmem:s30], [sflag:$0x3] =	stream.linear.gather [hbm4b:s14+s30], $0x1400, $0x38;
	[tilespmem:$0x1E400] =	vst v63  }
0x83: {  	_ =	swait.ge [sflag:s17], $0x1400  }
0x84: {  	[sflag:s17] =	ssyncset.done $0x0  }
0x85: {  	[sflag:s17] =	ssyncadd.s32 $0xFFFFEC00  }
0x86: {  	[tilespmem:s18], [sflag:$0x3] =	stream.linear.gather [hbm4b:s15+s30], $0x1400, $0x38;
	[tilespmem:$0x1E400] =	vst v63  }
0x87: {  	_ =	swait.ge [sflag:s17], $0x1400  }
0x88: {  	[sflag:s17] =	ssyncset.done $0x0  }
0x89: {  	[sflag:s17] =	ssyncadd.s32 $0xFFFFEC00  }
0x8a: {  	[tilespmem:s16], [sflag:$0x1] =	stream.indirect.gather [hbm4b:s0+s19], $0x80, s30, s19, $0xb8;
	[tilespmem:$0x1E400] =	vst v63  }
0x8b: {  	s31 =	simm.s32 $0x80  }
0x8c: {  	[tilespmem:s20], [sflag:$0x2] =	stream.indirect.gather [hbm4b:s0+s19], $0x80, s31, s19, $0xb8;
	[tilespmem:$0x1E400] =	vst v63  }
0x8d: {  	_ =	swait.ge [sflag:s21], $0x4000  }
0x8e: {  	[sflag:s21] =	ssyncset.done $0x0  }
0x8f: {  	s29 =	simm.s32 $0x1400;
	[sflag:s21] =	ssyncadd.s32 $0xFFFFC000  }
0x90: {  	[spmem:s3] =	stream.indirect.scatter.add.f32 [tilespmem:s16], [sflag:$0x3], $0x80, s29, s19, $0xb8;
	[tilespmem:$0x1E400] =	vst v63  }
0x91: {  	_ =	swait.ge [sflag:s17], $0x4000  }
0x92: {  	[sflag:s17] =	ssyncset.done $0x0  }
0x93: {  	s30 =	simm.s32 $0x100;
	[sflag:s17] =	ssyncadd.s32 $0xFFFFC000  }
0x94: {  	[tilespmem:s16], [sflag:$0x1] =	stream.indirect.gather [hbm4b:s0+s19], $0x80, s30, s19, $0xb8;
	[tilespmem:$0x1E400] =	vst v63  }
0x95: {  	_ =	swait.ge [sflag:s22], $0x4000  }
0x96: {  	[sflag:s22] =	ssyncset.done $0x0  }
0x97: {  	s31 =	simm.s32 $0x1480;
	[sflag:s22] =	ssyncadd.s32 $0xFFFFC000  }
0x98: {  	[spmem:s3] =	stream.indirect.scatter.add.f32 [tilespmem:s20], [sflag:$0x3], $0x80, s31, s19, $0xb8;
	[tilespmem:$0x1E400] =	vst v63  }
0x99: {  	_ =	swait.ge [sflag:s17], $0x4000  }
0x9a: {  	s26 =	simm.s32 $0x100;
	s28 =	simm.s32 $0x800;
	[sflag:s17] =	ssyncset.done $0x0  }
.LBB2_6:
0x9b: {  	s29 =	sadd.s32 $0x80, s26  }
0x9c: {  	[sflag:s17] =	ssyncadd.s32 $0xFFFFC000;
	s30 =	smov.u32 s28;
	s31 =	sadd.s32 $0x400, s28  }
0x9d: {  	[tilespmem:s20], [sflag:$0x2] =	stream.indirect.gather [hbm4b:s0+s19], $0x80, s29, s19, $0xb8;
	[tilespmem:$0x1E400] =	vst v63  }
0x9e: {  	p0 =	sne.s32 s28, $0x4800;
	_ =	swait.ge [sflag:s21], $0x4000  }
0x9f: {  	[sflag:s21] =	ssyncset.done $0x0  }
0xa0: {  	s28 =	sadd.s32 $0x1400, s26;
	[sflag:s21] =	ssyncadd.s32 $0xFFFFC000  }
0xa1: {  	[spmem:s3] =	stream.indirect.scatter.add.f32 [tilespmem:s16], [sflag:$0x3], $0x80, s28, s19, $0xb8;
	[tilespmem:$0x1E400] =	vst v63  }
0xa2: {  	_ =	swait.ge [sflag:s17], $0x4000  }
0xa3: {  	[sflag:s17] =	ssyncset.done $0x0  }
0xa4: {  	s28 =	sadd.s32 $0x100, s26;
	[sflag:s17] =	ssyncadd.s32 $0xFFFFC000  }
0xa5: {  	[tilespmem:s16], [sflag:$0x1] =	stream.indirect.gather [hbm4b:s0+s19], $0x80, s28, s19, $0xb8;
	[tilespmem:$0x1E400] =	vst v63  }
0xa6: {  	_ =	swait.ge [sflag:s22], $0x4000  }
.Ltmp2:
0xa7: {  	[sflag:s22] =	ssyncset.done $0x0;
	(pc) =	sbr.rel @p0 .LBB2_6-.Ltmp2, $4  }
0xa8: {  	s26 =	sadd.s32 $0x1480, s26;
	[sflag:s22] =	ssyncadd.s32 $0xFFFFC000  }
0xa9: {  	[spmem:s3] =	stream.indirect.scatter.add.f32 [tilespmem:s20], [sflag:$0x3], $0x80, s26, s19, $0xb8;
	[tilespmem:$0x1E400] =	vst v63  }
0xaa: {  	_ =	swait.ge [sflag:s17], $0x4000  }
0xab: {  	s28 =	smov.u32 s31;
	s26 =	sshra.s32 s30, $0x2;
	[sflag:s17] =	ssyncset.done $0x0  }
0xac: {  	s28 =	sadd.s32 $0x80, s26;
	[sflag:s17] =	ssyncadd.s32 $0xFFFFC000  }
0xad: {  	[tilespmem:s20], [sflag:$0x2] =	stream.indirect.gather [hbm4b:s0+s19], $0x80, s28, s19, $0xb8;
	[tilespmem:$0x1E400] =	vst v63  }
0xae: {  	_ =	swait.ge [sflag:s21], $0x4000  }
0xaf: {  	[sflag:s21] =	ssyncset.done $0x0  }
0xb0: {  	s30 =	sadd.s32 $0x1400, s26;
	[sflag:s21] =	ssyncadd.s32 $0xFFFFC000  }
0xb1: {  	[spmem:s3] =	stream.indirect.scatter.add.f32 [tilespmem:s16], [sflag:$0x3], $0x80, s30, s19, $0xb8;
	[tilespmem:$0x1E400] =	vst v63  }
0xb2: {  	_ =	swait.ge [sflag:s17], $0x4000  }
0xb3: {  	[sflag:s17] =	ssyncset.done $0x0  }
0xb4: {  	s31 =	sadd.s32 $0x100, s26;
	[sflag:s17] =	ssyncadd.s32 $0xFFFFC000  }
0xb5: {  	[tilespmem:s16], [sflag:$0x1] =	stream.indirect.gather [hbm4b:s0+s19], $0x80, s31, s19, $0xb8;
	[tilespmem:$0x1E400] =	vst v63  }
0xb6: {  	_ =	swait.ge [sflag:s22], $0x4000  }
0xb7: {  	[sflag:s22] =	ssyncset.done $0x0  }
0xb8: {  	s29 =	sadd.s32 $0x1480, s26;
	[sflag:s22] =	ssyncadd.s32 $0xFFFFC000  }
0xb9: {  	[spmem:s3] =	stream.indirect.scatter.add.f32 [tilespmem:s20], [sflag:$0x3], $0x80, s29, s19, $0xb8;
	[tilespmem:$0x1E400] =	vst v63  }
0xba: {  	_ =	swait.ge [sflag:s17], $0x4000  }
0xbb: {  	[sflag:s17] =	ssyncset.done $0x0  }
0xbc: {  	[sflag:s17] =	ssyncadd.s32 $0xFFFFC000  }
0xbd: {  	[tilespmem:s20], [sflag:$0x2] =	stream.indirect.gather [hbm4b:s0+s19], $0x80, s23, s19, $0xb8;
	[tilespmem:$0x1E400] =	vst v63  }
0xbe: {  	_ =	swait.ge [sflag:s21], $0x4000  }
0xbf: {  	[sflag:s21] =	ssyncset.done $0x0  }
0xc0: {  	[sflag:s21] =	ssyncadd.s32 $0xFFFFC000  }
0xc1: {  	[spmem:s3] =	stream.indirect.scatter.add.f32 [tilespmem:s16], [sflag:$0x3], $0x80, s24, s19, $0xb8;
	[tilespmem:$0x1E400] =	vst v63  }
0xc2: {  	_ =	swait.ge [sflag:s17], $0x4000  }
0xc3: {  	[sflag:s17] =	ssyncset.done $0x0  }
0xc4: {  	[sflag:s17] =	ssyncadd.s32 $0xFFFFC000  }
0xc5: {  	_ =	swait.ge [sflag:s22], $0x4000  }
0xc6: {  	[sflag:s22] =	ssyncset.done $0x0  }
0xc7: {  	[sflag:s22] =	ssyncadd.s32 $0xFFFFC000  }
0xc8: {  	[spmem:s3] =	stream.indirect.scatter.add.f32 [tilespmem:s20], [sflag:$0x3], $0x80, s25, s19, $0xb8;
	[tilespmem:$0x1E400] =	vst v63  }
0xc9: {  	_ =	swait.ge [sflag:s17], $0x4000  }
0xca: {  	s4 =	sadd.s32 $0x1, s4;
	s30 =	sshll.u32 s2, $0x6;
	[sflag:s17] =	ssyncset.done $0x0  }
0xcb: {  	p0 =	sne.s32 s4, s11;
	s26 =	sor.u32 $0x1C03, s30;
	[sflag:s17] =	ssyncadd.s32 $0xFFFFC000  }
.Ltmp3:
0xcc: {  	s31 =	sshrl.u32 s5, $0x3;
	[bflag:$0x0] =	sbarrier.arrive $0xFFFF;
	(pc) =	sbr.rel @p0 .LBB2_1-.Ltmp3, $4  }
0xcd: {  	[hbm:s10], [sflag:s26] =	dma.local [spmem:s31], $0x2780  }
0xce: {  	_ =	swait.ge [sflag:s17], $0x2780  }
0xcf: {  	[sflag:s17] =	ssyncset.done $0x0  }
0xd0: {  	[sflag:s17] =	ssyncadd.s32 $0xFFFFD880  }
0xd1: {  	_ =	sfence.sel $0x180000  }
0xd2: {  	[bflag:$0x0] =	sbarrier.arrive $0xFFFF  }
0xd3: {  	p0 =	sne.s32 s2, $0x0;
	_ =	strace $0x9000004A  }
0xd4: {  	s0 =	sadd.s32 @!p0 $0x100000, s1;
	[bflag:$0x2] =	sbarrier.arrive $0xFFFF  }
0xd5: {  	[sflag:s0] =	ssyncadd.tile.s32 @!p0 $0x1;
	_ =	shalt  }
.Lfunc_end2:
_tile_overlayer_lowered:
.L_overlay_start_2:
0xd6: {  	(tag) =	ssettag $0x2  }
0xd7: {  	s0 =	rddreg [dreg:$0x0];
	s2 =	stileid.u32  }
0xd8: {  	s1 =	rddreg [dreg:$0x1];
	p0 =	sne.s32 s2, $0x0  }
0xd9: {  	s3 =	rddreg [dreg:$0x2];
	[bflag:$0x3] =	sbarrier.arrive $0xFFFF;
	s2 =	simm.s32 @!p0 $0x1C03  }
0xda: {  	[timem:s3], [sflag:s2] =	dma.local @!p0 [hbm:s0], s1  }
0xdb: {  	s0 =	simm.s32 @!p0 $0x3  }
0xdc: {  	_ =	swait.ge @!p0 [sflag:s0], s1  }
0xdd: {  	s1 =	ssub.s32 @!p0 $0x0, s1;
	[sflag:s0] =	ssyncset.done @!p0 $0x0  }
0xde: {  	[sflag:s0] =	ssyncadd.s32 @!p0 s1  }
0xdf: {  	[bflag:$0x3] =	sbarrier.arrive $0xFFFF  }
0xe0: {  	_ =	shalt  }

</sc_bundles>
